<compile_context>
chip_gen: v7x
topology: tpu7x:2x2x1
jax: 0.10.2.dev20260603
libtpu: 0.0.44.dev20260713+nightly
codegen_flags: <defaults>
</compile_context>

<pallas_src>
import functools

import jax
import jax.numpy as jnp
from jax import lax
from jax.experimental import pallas as pl
from jax.experimental.pallas import tpu as pltpu
from jax.experimental.pallas import tpu_sc as plsc

TOP_K = 100
LANE = 128
SUB = 16
ROWS = 16
KEEP_C = 128
KEEP_S = 128
NCORES = 2
NSUBCORES = 16
NW = NCORES * NSUBCORES


def _chunk_stage_kernel(x_ref, xc_ref, cid_ref, gflat_ref, cm_sc, *, nchunks, batch, block_rows):
    BIG = jnp.int32(2**30)
    i = pl.program_id(0)
    nblocks = pl.num_programs(0)
    x = x_ref[...]
    xm = x[:, :nchunks * LANE].reshape(block_rows, nchunks, LANE)
    xc_ref[...] = xm.reshape(block_rows * nchunks, LANE)
    cm_sc[pl.ds(i * block_rows, block_rows), :] = jnp.max(xm, axis=2)

    @pl.when(i == nblocks - 1)
    def _():
        cm = cm_sc[...]
        pos = lax.broadcasted_iota(jnp.int32, (batch, nchunks), 1)
        liota = lax.broadcasted_iota(jnp.int32, (batch, LANE), 1)

        def step(j, carry):
            cm, acc = carry
            m = jnp.max(cm, axis=1, keepdims=True)
            key = jnp.where(cm == m, pos, BIG)
            p = jnp.min(key, axis=1, keepdims=True)
            acc = jnp.where(liota == j, p, acc)
            cm = jnp.where(key == p, -jnp.inf, cm)
            return cm, acc

        _, cids = lax.fori_loop(
            0, KEEP_C, step, (cm, jnp.zeros((batch, LANE), jnp.int32)),
            unroll=8)
        cid_ref[...] = cids
        row = lax.broadcasted_iota(jnp.int32, (batch, LANE), 0)
        gflat_ref[...] = cids + row * nchunks


def _sub_stage_kernel(cube_ref, cid_ref, ids_ref, gy_ref, sm_sc, *, nsub, batch, block_rows):
    BIG = jnp.int32(2**30)
    i = pl.program_id(0)
    nblocks = pl.num_programs(0)
    cube = cube_ref[...]
    sm_sc[pl.ds(i * block_rows, block_rows), :] = jnp.max(
        cube.reshape(block_rows, KEEP_C, 8, SUB), axis=3).reshape(block_rows, KEEP_C * 8)

    @pl.when(i == nblocks - 1)
    def _():
        sm = sm_sc[...]
        cids = cid_ref[...]
        cid8 = jnp.broadcast_to(cids[:, :, None], (batch, KEEP_C, 8))
        sub_i = lax.broadcasted_iota(jnp.int32, (batch, KEEP_C, 8), 2)
        fullmap = (cid8 * 8 + sub_i).reshape(batch, KEEP_C * 8)
        pos = lax.broadcasted_iota(jnp.int32, (batch, KEEP_C * 8), 1)
        liota = lax.broadcasted_iota(jnp.int32, (batch, LANE), 1)

        def step(j, carry):
            sm, acc = carry
            m = jnp.max(sm, axis=1, keepdims=True)
            key = jnp.where(sm == m, pos, BIG)
            p = jnp.min(key, axis=1, keepdims=True)
            sel = key == p
            fs = jnp.min(jnp.where(sel, fullmap, BIG), axis=1, keepdims=True)
            acc = jnp.where(liota == j, fs, acc)
            sm = jnp.where(sel, -jnp.inf, sm)
            return sm, acc

        _, ids = lax.fori_loop(
            0, KEEP_S, step, (sm, jnp.zeros((batch, LANE), jnp.int32)),
            unroll=8)
        ids_ref[...] = ids
        row = lax.broadcasted_iota(jnp.int32, (batch, LANE), 0)
        gy_ref[...] = ids + row * nsub


def _final_kernel(candy_ref, candw_ref, ids_ref, ytail_ref, wtail_ref,
                  words_ref, scores_ref, *, k, batch, tail_base, tail_n):
    BIG = jnp.int32(2**30)
    x = jnp.concatenate([candy_ref[...], ytail_ref[...]], axis=1)
    cw = jnp.concatenate([candw_ref[...], wtail_ref[...]], axis=1)
    ids = ids_ref[...]
    l16 = lax.broadcasted_iota(jnp.int32, (batch, KEEP_S, SUB), 2)
    om_main = (jnp.broadcast_to(ids[:, :, None], (batch, KEEP_S, SUB)) * SUB
               + l16).reshape(batch, KEEP_S * SUB)
    om_tail = (lax.broadcasted_iota(jnp.int32, (batch, tail_n), 1) + tail_base)
    origmap = jnp.concatenate([om_main, om_tail], axis=1)
    liota = lax.broadcasted_iota(jnp.int32, (batch, LANE), 1)

    def step(j, carry):
        x, wacc, sacc = carry
        m = jnp.max(x, axis=1, keepdims=True)
        key = jnp.where(x == m, origmap, BIG)
        om = jnp.min(key, axis=1, keepdims=True)
        sel = key == om
        w = jnp.min(jnp.where(sel, cw, BIG), axis=1, keepdims=True)
        wacc = jnp.where(liota == j, w, wacc)
        sacc = jnp.where(liota == j, m, sacc)
        x = jnp.where(sel, -jnp.inf, x)
        return x, wacc, sacc

    init = (x, jnp.zeros((batch, LANE), jnp.int32),
            jnp.zeros((batch, LANE), jnp.float32))
    _, wacc, sacc = lax.fori_loop(0, k, step, init, unroll=8)
    words_ref[...] = wacc
    scores_ref[...] = sacc


def _sc_gather_rows(table, idx2):
    nj, _ = idx2.shape
    n = nj * LANE
    d = table.shape[1]
    bpw = n // NW
    jw = bpw // LANE
    mesh = plsc.VectorSubcoreMesh(core_axis_name="c", subcore_axis_name="s")

    @functools.partial(
        pl.kernel, mesh=mesh,
        out_type=jax.ShapeDtypeStruct((n, d), table.dtype),
        compiler_params=pltpu.CompilerParams(use_tc_tiling_on_sc=False),
        scratch_types=[
            pltpu.VMEM((jw, LANE), jnp.int32),
            pltpu.VMEM((bpw, d), table.dtype),
            pltpu.SemaphoreType.DMA,
        ],
    )
    def k(table_hbm, idx_hbm, out_hbm, idx_v, rows_v, sem):
        wid = lax.axis_index("s") * NCORES + lax.axis_index("c")
        pltpu.sync_copy(idx_hbm.at[pl.ds(wid * jw, jw)], idx_v)
        copies = [
            pltpu.make_async_copy(
                table_hbm.at[idx_v.at[j]], rows_v.at[pl.ds(j * LANE, LANE)], sem)
            for j in range(jw)
        ]
        for c in copies:
            c.start()
        for c in copies:
            c.wait()
        pltpu.sync_copy(rows_v, out_hbm.at[pl.ds(wid * bpw, bpw)])

    return k(table, idx2)


def _sc_gather2(tabley, idxy2, tablew, idxw2):
    nj, _ = idxy2.shape
    n = nj * LANE
    dy = tabley.shape[1]
    dw = tablew.shape[1]
    bpw = n // NW
    jw = bpw // LANE
    mesh = plsc.VectorSubcoreMesh(core_axis_name="c", subcore_axis_name="s")

    @functools.partial(
        pl.kernel, mesh=mesh,
        out_type=[
            jax.ShapeDtypeStruct((n, dy), tabley.dtype),
            jax.ShapeDtypeStruct((n, dw), tablew.dtype),
        ],
        compiler_params=pltpu.CompilerParams(use_tc_tiling_on_sc=False),
        scratch_types=[
            pltpu.VMEM((jw, LANE), jnp.int32),
            pltpu.VMEM((jw, LANE), jnp.int32),
            pltpu.VMEM((bpw, dy), tabley.dtype),
            pltpu.VMEM((bpw, dw), tablew.dtype),
            pltpu.SemaphoreType.DMA,
        ],
    )
    def k(ty_hbm, iy_hbm, tw_hbm, iw_hbm, oy_hbm, ow_hbm,
          iy_v, iw_v, ry_v, rw_v, sem):
        wid = lax.axis_index("s") * NCORES + lax.axis_index("c")
        pltpu.sync_copy(iy_hbm.at[pl.ds(wid * jw, jw)], iy_v)
        pltpu.sync_copy(iw_hbm.at[pl.ds(wid * jw, jw)], iw_v)
        copies = [
            pltpu.make_async_copy(
                ty_hbm.at[iy_v.at[j]], ry_v.at[pl.ds(j * LANE, LANE)], sem)
            for j in range(jw)
        ] + [
            pltpu.make_async_copy(
                tw_hbm.at[iw_v.at[j]], rw_v.at[pl.ds(j * LANE, LANE)], sem)
            for j in range(jw)
        ]
        for c in copies:
            c.start()
        for c in copies:
            c.wait()
        pltpu.sync_copy(ry_v, oy_hbm.at[pl.ds(wid * bpw, bpw)])
        pltpu.sync_copy(rw_v, ow_hbm.at[pl.ds(wid * bpw, bpw)])

    return k(tabley, idxy2, tablew, idxw2)


def kernel(y_pred, word_table):
    batch, vocab = y_pred.shape
    nchunks = vocab // LANE
    main = nchunks * LANE
    tail_n = vocab - main
    nsub = vocab // SUB

    nblocks = batch // ROWS
    chunk_table, cids, gflat = pl.pallas_call(
        functools.partial(_chunk_stage_kernel, nchunks=nchunks, batch=batch,
                          block_rows=ROWS),
        grid=(nblocks,),
        in_specs=[pl.BlockSpec((ROWS, vocab), lambda i: (i, 0))],
        out_specs=[
            pl.BlockSpec((ROWS * nchunks, LANE), lambda i: (i, 0)),
            pl.BlockSpec((batch, LANE), lambda i: (0, 0)),
            pl.BlockSpec((batch, LANE), lambda i: (0, 0)),
        ],
        out_shape=[
            jax.ShapeDtypeStruct((batch * nchunks, LANE), jnp.float32),
            jax.ShapeDtypeStruct((batch, LANE), jnp.int32),
            jax.ShapeDtypeStruct((batch, LANE), jnp.int32),
        ],
        scratch_shapes=[pltpu.VMEM((batch, nchunks), jnp.float32)],
    )(y_pred)

    cube = _sc_gather_rows(chunk_table, gflat).reshape(batch, KEEP_C, LANE)

    ids_sub, gy = pl.pallas_call(
        functools.partial(_sub_stage_kernel, nsub=nsub, batch=batch,
                          block_rows=ROWS),
        grid=(nblocks,),
        in_specs=[
            pl.BlockSpec((ROWS, KEEP_C, LANE), lambda i: (i, 0, 0)),
            pl.BlockSpec((batch, LANE), lambda i: (0, 0)),
        ],
        out_specs=[
            pl.BlockSpec((batch, LANE), lambda i: (0, 0)),
            pl.BlockSpec((batch, LANE), lambda i: (0, 0)),
        ],
        out_shape=[
            jax.ShapeDtypeStruct((batch, LANE), jnp.int32),
            jax.ShapeDtypeStruct((batch, LANE), jnp.int32),
        ],
        scratch_shapes=[pltpu.VMEM((batch, KEEP_C * 8), jnp.float32)],
    )(cube, cids)

    y_sub = y_pred.reshape(batch * nsub, SUB)
    wt_sub = word_table.reshape(nsub, SUB)
    candy, candw = _sc_gather2(y_sub, gy, wt_sub, ids_sub)
    candy = candy.reshape(batch, KEEP_S * SUB)
    candw = candw.reshape(batch, KEEP_S * SUB)

    ytail = y_pred[:, main:]
    wtail = jnp.broadcast_to(word_table[None, main:], (batch, tail_n))

    words, scores = pl.pallas_call(
        functools.partial(_final_kernel, k=TOP_K, batch=batch,
                          tail_base=main, tail_n=tail_n),
        out_shape=[
            jax.ShapeDtypeStruct((batch, LANE), jnp.int32),
            jax.ShapeDtypeStruct((batch, LANE), jnp.float32),
        ],
    )(candy, candw, ids_sub, ytail, wtail)

    return words[:, :TOP_K], scores[:, :TOP_K]

# --- scband reference (transcript-rebuilt; emitter-appended) ---
"""Pipeline reference for scband-top-kword-predictions-layer-62165356642797 (READ-ONLY COPY).

The authoritative reference and input builder live on the scoring server;
editing this copy changes nothing except your own understanding.
"""

import jax, jax.numpy as jnp
import numpy as np

TOP_K = 100
BATCH = 128
VOCAB = 100000

def setup_inputs(seed: int = 0) -> dict:
    key = jax.random.key(seed)
    y_pred = jax.random.normal(key, (BATCH, VOCAB), dtype=jnp.float32)
    # The tf.lookup.StaticHashTable (index -> word string) is modeled as an
    # integer lookup table (index -> word_id), which preserves the gather
    # structure of the lookup. Identity mapping is used here.
    word_table = jnp.arange(VOCAB, dtype=jnp.int32)
    return {"y_pred": y_pred, "word_table": word_table}

def reference(y_pred, word_table):
    # tf.nn.top_k(y_pred, k, sorted=True)
    top_k_scores, top_k_indices = jax.lax.top_k(y_pred, TOP_K)
    # index_to_word_table.lookup(indices) -> gather into word table
    top_k_words = jnp.take(word_table, top_k_indices, axis=0)
    return (top_k_words, top_k_scores)

if __name__ == "__main__":
    import jax
    _d = setup_inputs()
    print(jax.jit(kernel)(*tuple(_d.values())))

</pallas_src>

<mosaic_0001>
#map = affine_map<(d0, d1) -> (0, 0)>
module attributes {stable_mosaic.version = 14 : i64} {
  func.func @k(%arg0: i32, %arg1: i32, %arg2: memref<99968x128xf32, #tpu.memory_space<hbm>>, %arg3: memref<128x128xi32, #tpu.memory_space<hbm>>, %arg4: memref<16384x128xf32, #tpu.memory_space<hbm>>, %arg5: memref<4x128xi32, #tpu.memory_space<vmem>>, %arg6: memref<512x128xf32, #tpu.memory_space<vmem>>, %arg7: memref<!tpu.dma_semaphore, #tpu.memory_space<semaphore_mem>>) attributes {dimension_semantics = [#tpu.dimension_semantics<core_parallel>, #tpu.dimension_semantics<subcore_parallel>], iteration_bounds = array<i64: 2, 16>, scalar_prefetch = 0 : i64, scratch_operands = 3 : i64, tpu.core_type = #tpu.core_type<sc_vector_subcore>, window_params = [{transform_indices = #map}, {transform_indices = #map}, {transform_indices = #map}]} {
    %mul3A = arith.constant 2 : i32
    %mul3A_0 = arith.muli %arg1, %mul3A : i32
    %add3A = arith.addi %mul3A_0, %arg0 : i32
    %mul3A_1 = arith.constant 4 : i32
    %mul3A_2 = arith.muli %add3A, %mul3A_1 : i32
    "tpu.region"() ({
      %run_scoped3A = tpu.sem_alloc : memref<!tpu.dma_semaphore, #tpu.memory_space<semaphore_mem>>
      %dma_start3A_83 = arith.constant 0 : i32
      %dma_start3A_84 = tpu.memref_slice %arg3[%mul3A_2, %dma_start3A_83] : memref<128x128xi32, #tpu.memory_space<hbm>> -> memref<4x128xi32, #tpu.memory_space<hbm>>
      %dma_start3A_85 = arith.constant 0 : i32
      %dma_start3A_86 = tpu.memref_slice %arg3[%mul3A_2, %dma_start3A_85] : memref<128x128xi32, #tpu.memory_space<hbm>> -> memref<4x128xi32, #tpu.memory_space<hbm>>
      tpu.enqueue_dma source(%dma_start3A_86 : memref<4x128xi32, #tpu.memory_space<hbm>>) target(%arg5 : memref<4x128xi32, #tpu.memory_space<vmem>>) target_semaphore(%run_scoped3A : memref<!tpu.dma_semaphore, #tpu.memory_space<semaphore_mem>>)
      %dma_wait3A_87 = arith.constant 0 : i32
      %dma_wait3A_88 = tpu.memref_slice %arg3[%mul3A_2, %dma_wait3A_87] : memref<128x128xi32, #tpu.memory_space<hbm>> -> memref<4x128xi32, #tpu.memory_space<hbm>>
      %dma_wait3A_89 = arith.constant 0 : i32
      %dma_wait3A_90 = tpu.memref_slice %arg3[%mul3A_2, %dma_wait3A_89] : memref<128x128xi32, #tpu.memory_space<hbm>> -> memref<4x128xi32, #tpu.memory_space<hbm>>
      tpu.wait_dma2 semaphore(%run_scoped3A : memref<!tpu.dma_semaphore, #tpu.memory_space<semaphore_mem>>) src(%dma_wait3A_90 : memref<4x128xi32, #tpu.memory_space<hbm>>) dst(%arg5 : memref<4x128xi32, #tpu.memory_space<vmem>>)
      tpu.yield
    }) : () -> ()
    %dma_start3A = arith.constant 0 : i32
    %dma_start3A_3 = arith.constant 0 : i32
    %dma_start3A_4 = arith.constant 0 : i32
    %dma_start3A_5 = tpu.memref_slice %arg6[%dma_start3A_3, %dma_start3A_4] : memref<512x128xf32, #tpu.memory_space<vmem>> -> memref<128x128xf32, #tpu.memory_space<vmem>>
    %dma_start3A_6 = arith.constant 0 : i32
    %dma_start3A_7 = tpu.memref_slice %arg5[%dma_start3A, %dma_start3A_6] : memref<4x128xi32, #tpu.memory_space<vmem>> -> memref<1x128xi32, #tpu.memory_space<vmem>>
    %dma_start3A_8 = tpu.memref_squeeze %dma_start3A_7 : memref<1x128xi32, #tpu.memory_space<vmem>> -> memref<128xi32, #tpu.memory_space<vmem>>
    %dma_start3A_9 = arith.constant 0 : i32
    %dma_start3A_10 = arith.constant 0 : i32
    %dma_start3A_11 = tpu.memref_slice %arg2[%dma_start3A_9, %dma_start3A_10] : memref<99968x128xf32, #tpu.memory_space<hbm>> -> memref<99968x128xf32, #tpu.memory_space<hbm>>
    tpu.enqueue_indirect_dma source(%dma_start3A_11 : memref<99968x128xf32, #tpu.memory_space<hbm>>) target(%dma_start3A_5 : memref<128x128xf32, #tpu.memory_space<vmem>>) offsets(%dma_start3A_8 : memref<128xi32, #tpu.memory_space<vmem>>) semaphore(%arg7 : memref<!tpu.dma_semaphore, #tpu.memory_space<semaphore_mem>>)
    %dma_start3A_12 = arith.constant 1 : i32
    %dma_start3A_13 = arith.constant 128 : i32
    %dma_start3A_14 = arith.constant 0 : i32
    %dma_start3A_15 = tpu.memref_slice %arg6[%dma_start3A_13, %dma_start3A_14] : memref<512x128xf32, #tpu.memory_space<vmem>> -> memref<128x128xf32, #tpu.memory_space<vmem>>
    %dma_start3A_16 = arith.constant 0 : i32
    %dma_start3A_17 = tpu.memref_slice %arg5[%dma_start3A_12, %dma_start3A_16] : memref<4x128xi32, #tpu.memory_space<vmem>> -> memref<1x128xi32, #tpu.memory_space<vmem>>
    %dma_start3A_18 = tpu.memref_squeeze %dma_start3A_17 : memref<1x128xi32, #tpu.memory_space<vmem>> -> memref<128xi32, #tpu.memory_space<vmem>>
    %dma_start3A_19 = arith.constant 0 : i32
    %dma_start3A_20 = arith.constant 0 : i32
    %dma_start3A_21 = tpu.memref_slice %arg2[%dma_start3A_19, %dma_start3A_20] : memref<99968x128xf32, #tpu.memory_space<hbm>> -> memref<99968x128xf32, #tpu.memory_space<hbm>>
    tpu.enqueue_indirect_dma source(%dma_start3A_21 : memref<99968x128xf32, #tpu.memory_space<hbm>>) target(%dma_start3A_15 : memref<128x128xf32, #tpu.memory_space<vmem>>) offsets(%dma_start3A_18 : memref<128xi32, #tpu.memory_space<vmem>>) semaphore(%arg7 : memref<!tpu.dma_semaphore, #tpu.memory_space<semaphore_mem>>)
    %dma_start3A_22 = arith.constant 2 : i32
    %dma_start3A_23 = arith.constant 256 : i32
    %dma_start3A_24 = arith.constant 0 : i32
    %dma_start3A_25 = tpu.memref_slice %arg6[%dma_start3A_23, %dma_start3A_24] : memref<512x128xf32, #tpu.memory_space<vmem>> -> memref<128x128xf32, #tpu.memory_space<vmem>>
    %dma_start3A_26 = arith.constant 0 : i32
    %dma_start3A_27 = tpu.memref_slice %arg5[%dma_start3A_22, %dma_start3A_26] : memref<4x128xi32, #tpu.memory_space<vmem>> -> memref<1x128xi32, #tpu.memory_space<vmem>>
    %dma_start3A_28 = tpu.memref_squeeze %dma_start3A_27 : memref<1x128xi32, #tpu.memory_space<vmem>> -> memref<128xi32, #tpu.memory_space<vmem>>
    %dma_start3A_29 = arith.constant 0 : i32
    %dma_start3A_30 = arith.constant 0 : i32
    %dma_start3A_31 = tpu.memref_slice %arg2[%dma_start3A_29, %dma_start3A_30] : memref<99968x128xf32, #tpu.memory_space<hbm>> -> memref<99968x128xf32, #tpu.memory_space<hbm>>
    tpu.enqueue_indirect_dma source(%dma_start3A_31 : memref<99968x128xf32, #tpu.memory_space<hbm>>) target(%dma_start3A_25 : memref<128x128xf32, #tpu.memory_space<vmem>>) offsets(%dma_start3A_28 : memref<128xi32, #tpu.memory_space<vmem>>) semaphore(%arg7 : memref<!tpu.dma_semaphore, #tpu.memory_space<semaphore_mem>>)
    %dma_start3A_32 = arith.constant 3 : i32
    %dma_start3A_33 = arith.constant 384 : i32
    %dma_start3A_34 = arith.constant 0 : i32
    %dma_start3A_35 = tpu.memref_slice %arg6[%dma_start3A_33, %dma_start3A_34] : memref<512x128xf32, #tpu.memory_space<vmem>> -> memref<128x128xf32, #tpu.memory_space<vmem>>
    %dma_start3A_36 = arith.constant 0 : i32
    %dma_start3A_37 = tpu.memref_slice %arg5[%dma_start3A_32, %dma_start3A_36] : memref<4x128xi32, #tpu.memory_space<vmem>> -> memref<1x128xi32, #tpu.memory_space<vmem>>
    %dma_start3A_38 = tpu.memref_squeeze %dma_start3A_37 : memref<1x128xi32, #tpu.memory_space<vmem>> -> memref<128xi32, #tpu.memory_space<vmem>>
    %dma_start3A_39 = arith.constant 0 : i32
    %dma_start3A_40 = arith.constant 0 : i32
    %dma_start3A_41 = tpu.memref_slice %arg2[%dma_start3A_39, %dma_start3A_40] : memref<99968x128xf32, #tpu.memory_space<hbm>> -> memref<99968x128xf32, #tpu.memory_space<hbm>>
    tpu.enqueue_indirect_dma source(%dma_start3A_41 : memref<99968x128xf32, #tpu.memory_space<hbm>>) target(%dma_start3A_35 : memref<128x128xf32, #tpu.memory_space<vmem>>) offsets(%dma_start3A_38 : memref<128xi32, #tpu.memory_space<vmem>>) semaphore(%arg7 : memref<!tpu.dma_semaphore, #tpu.memory_space<semaphore_mem>>)
    %dma_wait3A = arith.constant 0 : i32
    %dma_wait3A_42 = arith.constant 0 : i32
    %dma_wait3A_43 = arith.constant 0 : i32
    %dma_wait3A_44 = tpu.memref_slice %arg6[%dma_wait3A_42, %dma_wait3A_43] : memref<512x128xf32, #tpu.memory_space<vmem>> -> memref<128x128xf32, #tpu.memory_space<vmem>>
    %dma_wait3A_45 = arith.constant 0 : i32
    %dma_wait3A_46 = tpu.memref_slice %arg5[%dma_wait3A, %dma_wait3A_45] : memref<4x128xi32, #tpu.memory_space<vmem>> -> memref<1x128xi32, #tpu.memory_space<vmem>>
    %dma_wait3A_47 = tpu.memref_squeeze %dma_wait3A_46 : memref<1x128xi32, #tpu.memory_space<vmem>> -> memref<128xi32, #tpu.memory_space<vmem>>
    %dma_wait3A_48 = arith.constant 0 : i32
    %dma_wait3A_49 = arith.constant 0 : i32
    %dma_wait3A_50 = tpu.memref_slice %arg2[%dma_wait3A_48, %dma_wait3A_49] : memref<99968x128xf32, #tpu.memory_space<hbm>> -> memref<99968x128xf32, #tpu.memory_space<hbm>>
    tpu.wait_indirect_dma semaphore(%arg7 : memref<!tpu.dma_semaphore, #tpu.memory_space<semaphore_mem>>) src(%dma_wait3A_50 : memref<99968x128xf32, #tpu.memory_space<hbm>>) dst(%dma_wait3A_44 : memref<128x128xf32, #tpu.memory_space<vmem>>)
    %dma_wait3A_51 = arith.constant 1 : i32
    %dma_wait3A_52 = arith.constant 128 : i32
    %dma_wait3A_53 = arith.constant 0 : i32
    %dma_wait3A_54 = tpu.memref_slice %arg6[%dma_wait3A_52, %dma_wait3A_53] : memref<512x128xf32, #tpu.memory_space<vmem>> -> memref<128x128xf32, #tpu.memory_space<vmem>>
    %dma_wait3A_55 = arith.constant 0 : i32
    %dma_wait3A_56 = tpu.memref_slice %arg5[%dma_wait3A_51, %dma_wait3A_55] : memref<4x128xi32, #tpu.memory_space<vmem>> -> memref<1x128xi32, #tpu.memory_space<vmem>>
    %dma_wait3A_57 = tpu.memref_squeeze %dma_wait3A_56 : memref<1x128xi32, #tpu.memory_space<vmem>> -> memref<128xi32, #tpu.memory_space<vmem>>
    %dma_wait3A_58 = arith.constant 0 : i32
    %dma_wait3A_59 = arith.constant 0 : i32
    %dma_wait3A_60 = tpu.memref_slice %arg2[%dma_wait3A_58, %dma_wait3A_59] : memref<99968x128xf32, #tpu.memory_space<hbm>> -> memref<99968x128xf32, #tpu.memory_space<hbm>>
    tpu.wait_indirect_dma semaphore(%arg7 : memref<!tpu.dma_semaphore, #tpu.memory_space<semaphore_mem>>) src(%dma_wait3A_60 : memref<99968x128xf32, #tpu.memory_space<hbm>>) dst(%dma_wait3A_54 : memref<128x128xf32, #tpu.memory_space<vmem>>)
    %dma_wait3A_61 = arith.constant 2 : i32
    %dma_wait3A_62 = arith.constant 256 : i32
    %dma_wait3A_63 = arith.constant 0 : i32
    %dma_wait3A_64 = tpu.memref_slice %arg6[%dma_wait3A_62, %dma_wait3A_63] : memref<512x128xf32, #tpu.memory_space<vmem>> -> memref<128x128xf32, #tpu.memory_space<vmem>>
    %dma_wait3A_65 = arith.constant 0 : i32
    %dma_wait3A_66 = tpu.memref_slice %arg5[%dma_wait3A_61, %dma_wait3A_65] : memref<4x128xi32, #tpu.memory_space<vmem>> -> memref<1x128xi32, #tpu.memory_space<vmem>>
    %dma_wait3A_67 = tpu.memref_squeeze %dma_wait3A_66 : memref<1x128xi32, #tpu.memory_space<vmem>> -> memref<128xi32, #tpu.memory_space<vmem>>
    %dma_wait3A_68 = arith.constant 0 : i32
    %dma_wait3A_69 = arith.constant 0 : i32
    %dma_wait3A_70 = tpu.memref_slice %arg2[%dma_wait3A_68, %dma_wait3A_69] : memref<99968x128xf32, #tpu.memory_space<hbm>> -> memref<99968x128xf32, #tpu.memory_space<hbm>>
    tpu.wait_indirect_dma semaphore(%arg7 : memref<!tpu.dma_semaphore, #tpu.memory_space<semaphore_mem>>) src(%dma_wait3A_70 : memref<99968x128xf32, #tpu.memory_space<hbm>>) dst(%dma_wait3A_64 : memref<128x128xf32, #tpu.memory_space<vmem>>)
    %dma_wait3A_71 = arith.constant 3 : i32
    %dma_wait3A_72 = arith.constant 384 : i32
    %dma_wait3A_73 = arith.constant 0 : i32
    %dma_wait3A_74 = tpu.memref_slice %arg6[%dma_wait3A_72, %dma_wait3A_73] : memref<512x128xf32, #tpu.memory_space<vmem>> -> memref<128x128xf32, #tpu.memory_space<vmem>>
    %dma_wait3A_75 = arith.constant 0 : i32
    %dma_wait3A_76 = tpu.memref_slice %arg5[%dma_wait3A_71, %dma_wait3A_75] : memref<4x128xi32, #tpu.memory_space<vmem>> -> memref<1x128xi32, #tpu.memory_space<vmem>>
    %dma_wait3A_77 = tpu.memref_squeeze %dma_wait3A_76 : memref<1x128xi32, #tpu.memory_space<vmem>> -> memref<128xi32, #tpu.memory_space<vmem>>
    %dma_wait3A_78 = arith.constant 0 : i32
    %dma_wait3A_79 = arith.constant 0 : i32
    %dma_wait3A_80 = tpu.memref_slice %arg2[%dma_wait3A_78, %dma_wait3A_79] : memref<99968x128xf32, #tpu.memory_space<hbm>> -> memref<99968x128xf32, #tpu.memory_space<hbm>>
    tpu.wait_indirect_dma semaphore(%arg7 : memref<!tpu.dma_semaphore, #tpu.memory_space<semaphore_mem>>) src(%dma_wait3A_80 : memref<99968x128xf32, #tpu.memory_space<hbm>>) dst(%dma_wait3A_74 : memref<128x128xf32, #tpu.memory_space<vmem>>)
    %mul3A_81 = arith.constant 512 : i32
    %mul3A_82 = arith.muli %add3A, %mul3A_81 : i32
    "tpu.region"() ({
      %run_scoped3A = tpu.sem_alloc : memref<!tpu.dma_semaphore, #tpu.memory_space<semaphore_mem>>
      %dma_start3A_83 = arith.constant 0 : i32
      %dma_start3A_84 = tpu.memref_slice %arg4[%mul3A_82, %dma_start3A_83] : memref<16384x128xf32, #tpu.memory_space<hbm>> -> memref<512x128xf32, #tpu.memory_space<hbm>>
      %dma_start3A_85 = arith.constant 0 : i32
      %dma_start3A_86 = tpu.memref_slice %arg4[%mul3A_82, %dma_start3A_85] : memref<16384x128xf32, #tpu.memory_space<hbm>> -> memref<512x128xf32, #tpu.memory_space<hbm>>
      tpu.enqueue_dma source(%arg6 : memref<512x128xf32, #tpu.memory_space<vmem>>) target(%dma_start3A_86 : memref<512x128xf32, #tpu.memory_space<hbm>>) target_semaphore(%run_scoped3A : memref<!tpu.dma_semaphore, #tpu.memory_space<semaphore_mem>>)
      %dma_wait3A_87 = arith.constant 0 : i32
      %dma_wait3A_88 = tpu.memref_slice %arg4[%mul3A_82, %dma_wait3A_87] : memref<16384x128xf32, #tpu.memory_space<hbm>> -> memref<512x128xf32, #tpu.memory_space<hbm>>
      %dma_wait3A_89 = arith.constant 0 : i32
      %dma_wait3A_90 = tpu.memref_slice %arg4[%mul3A_82, %dma_wait3A_89] : memref<16384x128xf32, #tpu.memory_space<hbm>> -> memref<512x128xf32, #tpu.memory_space<hbm>>
      tpu.wait_dma2 semaphore(%run_scoped3A : memref<!tpu.dma_semaphore, #tpu.memory_space<semaphore_mem>>) src(%arg6 : memref<512x128xf32, #tpu.memory_space<vmem>>) dst(%dma_wait3A_90 : memref<512x128xf32, #tpu.memory_space<hbm>>)
      tpu.yield
    }) : () -> ()
    return
  }
}

#map = affine_map<(d0, d1) -> (0, 0)>
module attributes {stable_mosaic.version = 14 : i64} {
  func.func @k(%arg0: i32, %arg1: i32, %arg2: memref<800000x16xf32, #tpu.memory_space<hbm>>, %arg3: memref<128x128xi32, #tpu.memory_space<hbm>>, %arg4: memref<6250x16xi32, #tpu.memory_space<hbm>>, %arg5: memref<128x128xi32, #tpu.memory_space<hbm>>, %arg6: memref<16384x16xf32, #tpu.memory_space<hbm>>, %arg7: memref<16384x16xi32, #tpu.memory_space<hbm>>, %arg8: memref<4x128xi32, #tpu.memory_space<vmem>>, %arg9: memref<4x128xi32, #tpu.memory_space<vmem>>, %arg10: memref<512x16xf32, #tpu.memory_space<vmem>>, %arg11: memref<512x16xi32, #tpu.memory_space<vmem>>, %arg12: memref<!tpu.dma_semaphore, #tpu.memory_space<semaphore_mem>>) attributes {dimension_semantics = [#tpu.dimension_semantics<core_parallel>, #tpu.dimension_semantics<subcore_parallel>], iteration_bounds = array<i64: 2, 16>, scalar_prefetch = 0 : i64, scratch_operands = 5 : i64, tpu.core_type = #tpu.core_type<sc_vector_subcore>, window_params = [{transform_indices = #map}, {transform_indices = #map}, {transform_indices = #map}, {transform_indices = #map}, {transform_indices = #map}, {transform_indices = #map}]} {
    %mul3A = arith.constant 2 : i32
    %mul3A_0 = arith.muli %arg1, %mul3A : i32
    %add3A = arith.addi %mul3A_0, %arg0 : i32
    %mul3A_1 = arith.constant 4 : i32
    %mul3A_2 = arith.muli %add3A, %mul3A_1 : i32
    "tpu.region"() ({
      %run_scoped3A = tpu.sem_alloc : memref<!tpu.dma_semaphore, #tpu.memory_space<semaphore_mem>>
      %dma_start3A_167 = arith.constant 0 : i32
      %dma_start3A_168 = tpu.memref_slice %arg3[%mul3A_2, %dma_start3A_167] : memref<128x128xi32, #tpu.memory_space<hbm>> -> memref<4x128xi32, #tpu.memory_space<hbm>>
      %dma_start3A_169 = arith.constant 0 : i32
      %dma_start3A_170 = tpu.memref_slice %arg3[%mul3A_2, %dma_start3A_169] : memref<128x128xi32, #tpu.memory_space<hbm>> -> memref<4x128xi32, #tpu.memory_space<hbm>>
      tpu.enqueue_dma source(%dma_start3A_170 : memref<4x128xi32, #tpu.memory_space<hbm>>) target(%arg8 : memref<4x128xi32, #tpu.memory_space<vmem>>) target_semaphore(%run_scoped3A : memref<!tpu.dma_semaphore, #tpu.memory_space<semaphore_mem>>)
      %dma_wait3A_171 = arith.constant 0 : i32
      %dma_wait3A_172 = tpu.memref_slice %arg3[%mul3A_2, %dma_wait3A_171] : memref<128x128xi32, #tpu.memory_space<hbm>> -> memref<4x128xi32, #tpu.memory_space<hbm>>
      %dma_wait3A_173 = arith.constant 0 : i32
      %dma_wait3A_174 = tpu.memref_slice %arg3[%mul3A_2, %dma_wait3A_173] : memref<128x128xi32, #tpu.memory_space<hbm>> -> memref<4x128xi32, #tpu.memory_space<hbm>>
      tpu.wait_dma2 semaphore(%run_scoped3A : memref<!tpu.dma_semaphore, #tpu.memory_space<semaphore_mem>>) src(%dma_wait3A_174 : memref<4x128xi32, #tpu.memory_space<hbm>>) dst(%arg8 : memref<4x128xi32, #tpu.memory_space<vmem>>)
      tpu.yield
    }) : () -> ()
    %mul3A_3 = arith.constant 4 : i32
    %mul3A_4 = arith.muli %add3A, %mul3A_3 : i32
    "tpu.region"() ({
      %run_scoped3A = tpu.sem_alloc : memref<!tpu.dma_semaphore, #tpu.memory_space<semaphore_mem>>
      %dma_start3A_167 = arith.constant 0 : i32
      %dma_start3A_168 = tpu.memref_slice %arg5[%mul3A_4, %dma_start3A_167] : memref<128x128xi32, #tpu.memory_space<hbm>> -> memref<4x128xi32, #tpu.memory_space<hbm>>
      %dma_start3A_169 = arith.constant 0 : i32
      %dma_start3A_170 = tpu.memref_slice %arg5[%mul3A_4, %dma_start3A_169] : memref<128x128xi32, #tpu.memory_space<hbm>> -> memref<4x128xi32, #tpu.memory_space<hbm>>
      tpu.enqueue_dma source(%dma_start3A_170 : memref<4x128xi32, #tpu.memory_space<hbm>>) target(%arg9 : memref<4x128xi32, #tpu.memory_space<vmem>>) target_semaphore(%run_scoped3A : memref<!tpu.dma_semaphore, #tpu.memory_space<semaphore_mem>>)
      %dma_wait3A_171 = arith.constant 0 : i32
      %dma_wait3A_172 = tpu.memref_slice %arg5[%mul3A_4, %dma_wait3A_171] : memref<128x128xi32, #tpu.memory_space<hbm>> -> memref<4x128xi32, #tpu.memory_space<hbm>>
      %dma_wait3A_173 = arith.constant 0 : i32
      %dma_wait3A_174 = tpu.memref_slice %arg5[%mul3A_4, %dma_wait3A_173] : memref<128x128xi32, #tpu.memory_space<hbm>> -> memref<4x128xi32, #tpu.memory_space<hbm>>
      tpu.wait_dma2 semaphore(%run_scoped3A : memref<!tpu.dma_semaphore, #tpu.memory_space<semaphore_mem>>) src(%dma_wait3A_174 : memref<4x128xi32, #tpu.memory_space<hbm>>) dst(%arg9 : memref<4x128xi32, #tpu.memory_space<vmem>>)
      tpu.yield
    }) : () -> ()
    %dma_start3A = arith.constant 0 : i32
    %dma_start3A_5 = arith.constant 0 : i32
    %dma_start3A_6 = arith.constant 0 : i32
    %dma_start3A_7 = tpu.memref_slice %arg10[%dma_start3A_5, %dma_start3A_6] : memref<512x16xf32, #tpu.memory_space<vmem>> -> memref<128x16xf32, #tpu.memory_space<vmem>>
    %dma_start3A_8 = arith.constant 0 : i32
    %dma_start3A_9 = tpu.memref_slice %arg8[%dma_start3A, %dma_start3A_8] : memref<4x128xi32, #tpu.memory_space<vmem>> -> memref<1x128xi32, #tpu.memory_space<vmem>>
    %dma_start3A_10 = tpu.memref_squeeze %dma_start3A_9 : memref<1x128xi32, #tpu.memory_space<vmem>> -> memref<128xi32, #tpu.memory_space<vmem>>
    %dma_start3A_11 = arith.constant 0 : i32
    %dma_start3A_12 = arith.constant 0 : i32
    %dma_start3A_13 = tpu.memref_slice %arg2[%dma_start3A_11, %dma_start3A_12] : memref<800000x16xf32, #tpu.memory_space<hbm>> -> memref<800000x16xf32, #tpu.memory_space<hbm>>
    tpu.enqueue_indirect_dma source(%dma_start3A_13 : memref<800000x16xf32, #tpu.memory_space<hbm>>) target(%dma_start3A_7 : memref<128x16xf32, #tpu.memory_space<vmem>>) offsets(%dma_start3A_10 : memref<128xi32, #tpu.memory_space<vmem>>) semaphore(%arg12 : memref<!tpu.dma_semaphore, #tpu.memory_space<semaphore_mem>>)
    %dma_start3A_14 = arith.constant 1 : i32
    %dma_start3A_15 = arith.constant 128 : i32
    %dma_start3A_16 = arith.constant 0 : i32
    %dma_start3A_17 = tpu.memref_slice %arg10[%dma_start3A_15, %dma_start3A_16] : memref<512x16xf32, #tpu.memory_space<vmem>> -> memref<128x16xf32, #tpu.memory_space<vmem>>
    %dma_start3A_18 = arith.constant 0 : i32
    %dma_start3A_19 = tpu.memref_slice %arg8[%dma_start3A_14, %dma_start3A_18] : memref<4x128xi32, #tpu.memory_space<vmem>> -> memref<1x128xi32, #tpu.memory_space<vmem>>
    %dma_start3A_20 = tpu.memref_squeeze %dma_start3A_19 : memref<1x128xi32, #tpu.memory_space<vmem>> -> memref<128xi32, #tpu.memory_space<vmem>>
    %dma_start3A_21 = arith.constant 0 : i32
    %dma_start3A_22 = arith.constant 0 : i32
    %dma_start3A_23 = tpu.memref_slice %arg2[%dma_start3A_21, %dma_start3A_22] : memref<800000x16xf32, #tpu.memory_space<hbm>> -> memref<800000x16xf32, #tpu.memory_space<hbm>>
    tpu.enqueue_indirect_dma source(%dma_start3A_23 : memref<800000x16xf32, #tpu.memory_space<hbm>>) target(%dma_start3A_17 : memref<128x16xf32, #tpu.memory_space<vmem>>) offsets(%dma_start3A_20 : memref<128xi32, #tpu.memory_space<vmem>>) semaphore(%arg12 : memref<!tpu.dma_semaphore, #tpu.memory_space<semaphore_mem>>)
    %dma_start3A_24 = arith.constant 2 : i32
    %dma_start3A_25 = arith.constant 256 : i32
    %dma_start3A_26 = arith.constant 0 : i32
    %dma_start3A_27 = tpu.memref_slice %arg10[%dma_start3A_25, %dma_start3A_26] : memref<512x16xf32, #tpu.memory_space<vmem>> -> memref<128x16xf32, #tpu.memory_space<vmem>>
    %dma_start3A_28 = arith.constant 0 : i32
    %dma_start3A_29 = tpu.memref_slice %arg8[%dma_start3A_24, %dma_start3A_28] : memref<4x128xi32, #tpu.memory_space<vmem>> -> memref<1x128xi32, #tpu.memory_space<vmem>>
    %dma_start3A_30 = tpu.memref_squeeze %dma_start3A_29 : memref<1x128xi32, #tpu.memory_space<vmem>> -> memref<128xi32, #tpu.memory_space<vmem>>
    %dma_start3A_31 = arith.constant 0 : i32
    %dma_start3A_32 = arith.constant 0 : i32
    %dma_start3A_33 = tpu.memref_slice %arg2[%dma_start3A_31, %dma_start3A_32] : memref<800000x16xf32, #tpu.memory_space<hbm>> -> memref<800000x16xf32, #tpu.memory_space<hbm>>
    tpu.enqueue_indirect_dma source(%dma_start3A_33 : memref<800000x16xf32, #tpu.memory_space<hbm>>) target(%dma_start3A_27 : memref<128x16xf32, #tpu.memory_space<vmem>>) offsets(%dma_start3A_30 : memref<128xi32, #tpu.memory_space<vmem>>) semaphore(%arg12 : memref<!tpu.dma_semaphore, #tpu.memory_space<semaphore_mem>>)
    %dma_start3A_34 = arith.constant 3 : i32
    %dma_start3A_35 = arith.constant 384 : i32
    %dma_start3A_36 = arith.constant 0 : i32
    %dma_start3A_37 = tpu.memref_slice %arg10[%dma_start3A_35, %dma_start3A_36] : memref<512x16xf32, #tpu.memory_space<vmem>> -> memref<128x16xf32, #tpu.memory_space<vmem>>
    %dma_start3A_38 = arith.constant 0 : i32
    %dma_start3A_39 = tpu.memref_slice %arg8[%dma_start3A_34, %dma_start3A_38] : memref<4x128xi32, #tpu.memory_space<vmem>> -> memref<1x128xi32, #tpu.memory_space<vmem>>
    %dma_start3A_40 = tpu.memref_squeeze %dma_start3A_39 : memref<1x128xi32, #tpu.memory_space<vmem>> -> memref<128xi32, #tpu.memory_space<vmem>>
    %dma_start3A_41 = arith.constant 0 : i32
    %dma_start3A_42 = arith.constant 0 : i32
    %dma_start3A_43 = tpu.memref_slice %arg2[%dma_start3A_41, %dma_start3A_42] : memref<800000x16xf32, #tpu.memory_space<hbm>> -> memref<800000x16xf32, #tpu.memory_space<hbm>>
    tpu.enqueue_indirect_dma source(%dma_start3A_43 : memref<800000x16xf32, #tpu.memory_space<hbm>>) target(%dma_start3A_37 : memref<128x16xf32, #tpu.memory_space<vmem>>) offsets(%dma_start3A_40 : memref<128xi32, #tpu.memory_space<vmem>>) semaphore(%arg12 : memref<!tpu.dma_semaphore, #tpu.memory_space<semaphore_mem>>)
    %dma_start3A_44 = arith.constant 0 : i32
    %dma_start3A_45 = arith.constant 0 : i32
    %dma_start3A_46 = arith.constant 0 : i32
    %dma_start3A_47 = tpu.memref_slice %arg11[%dma_start3A_45, %dma_start3A_46] : memref<512x16xi32, #tpu.memory_space<vmem>> -> memref<128x16xi32, #tpu.memory_space<vmem>>
    %dma_start3A_48 = arith.constant 0 : i32
    %dma_start3A_49 = tpu.memref_slice %arg9[%dma_start3A_44, %dma_start3A_48] : memref<4x128xi32, #tpu.memory_space<vmem>> -> memref<1x128xi32, #tpu.memory_space<vmem>>
    %dma_start3A_50 = tpu.memref_squeeze %dma_start3A_49 : memref<1x128xi32, #tpu.memory_space<vmem>> -> memref<128xi32, #tpu.memory_space<vmem>>
    %dma_start3A_51 = arith.constant 0 : i32
    %dma_start3A_52 = arith.constant 0 : i32
    %dma_start3A_53 = tpu.memref_slice %arg4[%dma_start3A_51, %dma_start3A_52] : memref<6250x16xi32, #tpu.memory_space<hbm>> -> memref<6250x16xi32, #tpu.memory_space<hbm>>
    tpu.enqueue_indirect_dma source(%dma_start3A_53 : memref<6250x16xi32, #tpu.memory_space<hbm>>) target(%dma_start3A_47 : memref<128x16xi32, #tpu.memory_space<vmem>>) offsets(%dma_start3A_50 : memref<128xi32, #tpu.memory_space<vmem>>) semaphore(%arg12 : memref<!tpu.dma_semaphore, #tpu.memory_space<semaphore_mem>>)
    %dma_start3A_54 = arith.constant 1 : i32
    %dma_start3A_55 = arith.constant 128 : i32
    %dma_start3A_56 = arith.constant 0 : i32
    %dma_start3A_57 = tpu.memref_slice %arg11[%dma_start3A_55, %dma_start3A_56] : memref<512x16xi32, #tpu.memory_space<vmem>> -> memref<128x16xi32, #tpu.memory_space<vmem>>
    %dma_start3A_58 = arith.constant 0 : i32
    %dma_start3A_59 = tpu.memref_slice %arg9[%dma_start3A_54, %dma_start3A_58] : memref<4x128xi32, #tpu.memory_space<vmem>> -> memref<1x128xi32, #tpu.memory_space<vmem>>
    %dma_start3A_60 = tpu.memref_squeeze %dma_start3A_59 : memref<1x128xi32, #tpu.memory_space<vmem>> -> memref<128xi32, #tpu.memory_space<vmem>>
    %dma_start3A_61 = arith.constant 0 : i32
    %dma_start3A_62 = arith.constant 0 : i32
    %dma_start3A_63 = tpu.memref_slice %arg4[%dma_start3A_61, %dma_start3A_62] : memref<6250x16xi32, #tpu.memory_space<hbm>> -> memref<6250x16xi32, #tpu.memory_space<hbm>>
    tpu.enqueue_indirect_dma source(%dma_start3A_63 : memref<6250x16xi32, #tpu.memory_space<hbm>>) target(%dma_start3A_57 : memref<128x16xi32, #tpu.memory_space<vmem>>) offsets(%dma_start3A_60 : memref<128xi32, #tpu.memory_space<vmem>>) semaphore(%arg12 : memref<!tpu.dma_semaphore, #tpu.memory_space<semaphore_mem>>)
    %dma_start3A_64 = arith.constant 2 : i32
    %dma_start3A_65 = arith.constant 256 : i32
    %dma_start3A_66 = arith.constant 0 : i32
    %dma_start3A_67 = tpu.memref_slice %arg11[%dma_start3A_65, %dma_start3A_66] : memref<512x16xi32, #tpu.memory_space<vmem>> -> memref<128x16xi32, #tpu.memory_space<vmem>>
    %dma_start3A_68 = arith.constant 0 : i32
    %dma_start3A_69 = tpu.memref_slice %arg9[%dma_start3A_64, %dma_start3A_68] : memref<4x128xi32, #tpu.memory_space<vmem>> -> memref<1x128xi32, #tpu.memory_space<vmem>>
    %dma_start3A_70 = tpu.memref_squeeze %dma_start3A_69 : memref<1x128xi32, #tpu.memory_space<vmem>> -> memref<128xi32, #tpu.memory_space<vmem>>
    %dma_start3A_71 = arith.constant 0 : i32
    %dma_start3A_72 = arith.constant 0 : i32
    %dma_start3A_73 = tpu.memref_slice %arg4[%dma_start3A_71, %dma_start3A_72] : memref<6250x16xi32, #tpu.memory_space<hbm>> -> memref<6250x16xi32, #tpu.memory_space<hbm>>
    tpu.enqueue_indirect_dma source(%dma_start3A_73 : memref<6250x16xi32, #tpu.memory_space<hbm>>) target(%dma_start3A_67 : memref<128x16xi32, #tpu.memory_space<vmem>>) offsets(%dma_start3A_70 : memref<128xi32, #tpu.memory_space<vmem>>) semaphore(%arg12 : memref<!tpu.dma_semaphore, #tpu.memory_space<semaphore_mem>>)
    %dma_start3A_74 = arith.constant 3 : i32
    %dma_start3A_75 = arith.constant 384 : i32
    %dma_start3A_76 = arith.constant 0 : i32
    %dma_start3A_77 = tpu.memref_slice %arg11[%dma_start3A_75, %dma_start3A_76] : memref<512x16xi32, #tpu.memory_space<vmem>> -> memref<128x16xi32, #tpu.memory_space<vmem>>
    %dma_start3A_78 = arith.constant 0 : i32
    %dma_start3A_79 = tpu.memref_slice %arg9[%dma_start3A_74, %dma_start3A_78] : memref<4x128xi32, #tpu.memory_space<vmem>> -> memref<1x128xi32, #tpu.memory_space<vmem>>
    %dma_start3A_80 = tpu.memref_squeeze %dma_start3A_79 : memref<1x128xi32, #tpu.memory_space<vmem>> -> memref<128xi32, #tpu.memory_space<vmem>>
    %dma_start3A_81 = arith.constant 0 : i32
    %dma_start3A_82 = arith.constant 0 : i32
    %dma_start3A_83 = tpu.memref_slice %arg4[%dma_start3A_81, %dma_start3A_82] : memref<6250x16xi32, #tpu.memory_space<hbm>> -> memref<6250x16xi32, #tpu.memory_space<hbm>>
    tpu.enqueue_indirect_dma source(%dma_start3A_83 : memref<6250x16xi32, #tpu.memory_space<hbm>>) target(%dma_start3A_77 : memref<128x16xi32, #tpu.memory_space<vmem>>) offsets(%dma_start3A_80 : memref<128xi32, #tpu.memory_space<vmem>>) semaphore(%arg12 : memref<!tpu.dma_semaphore, #tpu.memory_space<semaphore_mem>>)
    %dma_wait3A = arith.constant 0 : i32
    %dma_wait3A_84 = arith.constant 0 : i32
    %dma_wait3A_85 = arith.constant 0 : i32
    %dma_wait3A_86 = tpu.memref_slice %arg10[%dma_wait3A_84, %dma_wait3A_85] : memref<512x16xf32, #tpu.memory_space<vmem>> -> memref<128x16xf32, #tpu.memory_space<vmem>>
    %dma_wait3A_87 = arith.constant 0 : i32
    %dma_wait3A_88 = tpu.memref_slice %arg8[%dma_wait3A, %dma_wait3A_87] : memref<4x128xi32, #tpu.memory_space<vmem>> -> memref<1x128xi32, #tpu.memory_space<vmem>>
    %dma_wait3A_89 = tpu.memref_squeeze %dma_wait3A_88 : memref<1x128xi32, #tpu.memory_space<vmem>> -> memref<128xi32, #tpu.memory_space<vmem>>
    %dma_wait3A_90 = arith.constant 0 : i32
    %dma_wait3A_91 = arith.constant 0 : i32
    %dma_wait3A_92 = tpu.memref_slice %arg2[%dma_wait3A_90, %dma_wait3A_91] : memref<800000x16xf32, #tpu.memory_space<hbm>> -> memref<800000x16xf32, #tpu.memory_space<hbm>>
    tpu.wait_indirect_dma semaphore(%arg12 : memref<!tpu.dma_semaphore, #tpu.memory_space<semaphore_mem>>) src(%dma_wait3A_92 : memref<800000x16xf32, #tpu.memory_space<hbm>>) dst(%dma_wait3A_86 : memref<128x16xf32, #tpu.memory_space<vmem>>)
    %dma_wait3A_93 = arith.constant 1 : i32
    %dma_wait3A_94 = arith.constant 128 : i32
    %dma_wait3A_95 = arith.constant 0 : i32
    %dma_wait3A_96 = tpu.memref_slice %arg10[%dma_wait3A_94, %dma_wait3A_95] : memref<512x16xf32, #tpu.memory_space<vmem>> -> memref<128x16xf32, #tpu.memory_space<vmem>>
    %dma_wait3A_97 = arith.constant 0 : i32
    %dma_wait3A_98 = tpu.memref_slice %arg8[%dma_wait3A_93, %dma_wait3A_97] : memref<4x128xi32, #tpu.memory_space<vmem>> -> memref<1x128xi32, #tpu.memory_space<vmem>>
    %dma_wait3A_99 = tpu.memref_squeeze %dma_wait3A_98 : memref<1x128xi32, #tpu.memory_space<vmem>> -> memref<128xi32, #tpu.memory_space<vmem>>
    %dma_wait3A_100 = arith.constant 0 : i32
    %dma_wait3A_101 = arith.constant 0 : i32
    %dma_wait3A_102 = tpu.memref_slice %arg2[%dma_wait3A_100, %dma_wait3A_101] : memref<800000x16xf32, #tpu.memory_space<hbm>> -> memref<800000x16xf32, #tpu.memory_space<hbm>>
    tpu.wait_indirect_dma semaphore(%arg12 : memref<!tpu.dma_semaphore, #tpu.memory_space<semaphore_mem>>) src(%dma_wait3A_102 : memref<800000x16xf32, #tpu.memory_space<hbm>>) dst(%dma_wait3A_96 : memref<128x16xf32, #tpu.memory_space<vmem>>)
    %dma_wait3A_103 = arith.constant 2 : i32
    %dma_wait3A_104 = arith.constant 256 : i32
    %dma_wait3A_105 = arith.constant 0 : i32
    %dma_wait3A_106 = tpu.memref_slice %arg10[%dma_wait3A_104, %dma_wait3A_105] : memref<512x16xf32, #tpu.memory_space<vmem>> -> memref<128x16xf32, #tpu.memory_space<vmem>>
    %dma_wait3A_107 = arith.constant 0 : i32
    %dma_wait3A_108 = tpu.memref_slice %arg8[%dma_wait3A_103, %dma_wait3A_107] : memref<4x128xi32, #tpu.memory_space<vmem>> -> memref<1x128xi32, #tpu.memory_space<vmem>>
    %dma_wait3A_109 = tpu.memref_squeeze %dma_wait3A_108 : memref<1x128xi32, #tpu.memory_space<vmem>> -> memref<128xi32, #tpu.memory_space<vmem>>
    %dma_wait3A_110 = arith.constant 0 : i32
    %dma_wait3A_111 = arith.constant 0 : i32
    %dma_wait3A_112 = tpu.memref_slice %arg2[%dma_wait3A_110, %dma_wait3A_111] : memref<800000x16xf32, #tpu.memory_space<hbm>> -> memref<800000x16xf32, #tpu.memory_space<hbm>>
    tpu.wait_indirect_dma semaphore(%arg12 : memref<!tpu.dma_semaphore, #tpu.memory_space<semaphore_mem>>) src(%dma_wait3A_112 : memref<800000x16xf32, #tpu.memory_space<hbm>>) dst(%dma_wait3A_106 : memref<128x16xf32, #tpu.memory_space<vmem>>)
    %dma_wait3A_113 = arith.constant 3 : i32
    %dma_wait3A_114 = arith.constant 384 : i32
    %dma_wait3A_115 = arith.constant 0 : i32
    %dma_wait3A_116 = tpu.memref_slice %arg10[%dma_wait3A_114, %dma_wait3A_115] : memref<512x16xf32, #tpu.memory_space<vmem>> -> memref<128x16xf32, #tpu.memory_space<vmem>>
    %dma_wait3A_117 = arith.constant 0 : i32
    %dma_wait3A_118 = tpu.memref_slice %arg8[%dma_wait3A_113, %dma_wait3A_117] : memref<4x128xi32, #tpu.memory_space<vmem>> -> memref<1x128xi32, #tpu.memory_space<vmem>>
    %dma_wait3A_119 = tpu.memref_squeeze %dma_wait3A_118 : memref<1x128xi32, #tpu.memory_space<vmem>> -> memref<128xi32, #tpu.memory_space<vmem>>
    %dma_wait3A_120 = arith.constant 0 : i32
    %dma_wait3A_121 = arith.constant 0 : i32
    %dma_wait3A_122 = tpu.memref_slice %arg2[%dma_wait3A_120, %dma_wait3A_121] : memref<800000x16xf32, #tpu.memory_space<hbm>> -> memref<800000x16xf32, #tpu.memory_space<hbm>>
    tpu.wait_indirect_dma semaphore(%arg12 : memref<!tpu.dma_semaphore, #tpu.memory_space<semaphore_mem>>) src(%dma_wait3A_122 : memref<800000x16xf32, #tpu.memory_space<hbm>>) dst(%dma_wait3A_116 : memref<128x16xf32, #tpu.memory_space<vmem>>)
    %dma_wait3A_123 = arith.constant 0 : i32
    %dma_wait3A_124 = arith.constant 0 : i32
    %dma_wait3A_125 = arith.constant 0 : i32
    %dma_wait3A_126 = tpu.memref_slice %arg11[%dma_wait3A_124, %dma_wait3A_125] : memref<512x16xi32, #tpu.memory_space<vmem>> -> memref<128x16xi32, #tpu.memory_space<vmem>>
    %dma_wait3A_127 = arith.constant 0 : i32
    %dma_wait3A_128 = tpu.memref_slice %arg9[%dma_wait3A_123, %dma_wait3A_127] : memref<4x128xi32, #tpu.memory_space<vmem>> -> memref<1x128xi32, #tpu.memory_space<vmem>>
    %dma_wait3A_129 = tpu.memref_squeeze %dma_wait3A_128 : memref<1x128xi32, #tpu.memory_space<vmem>> -> memref<128xi32, #tpu.memory_space<vmem>>
    %dma_wait3A_130 = arith.constant 0 : i32
    %dma_wait3A_131 = arith.constant 0 : i32
    %dma_wait3A_132 = tpu.memref_slice %arg4[%dma_wait3A_130, %dma_wait3A_131] : memref<6250x16xi32, #tpu.memory_space<hbm>> -> memref<6250x16xi32, #tpu.memory_space<hbm>>
    tpu.wait_indirect_dma semaphore(%arg12 : memref<!tpu.dma_semaphore, #tpu.memory_space<semaphore_mem>>) src(%dma_wait3A_132 : memref<6250x16xi32, #tpu.memory_space<hbm>>) dst(%dma_wait3A_126 : memref<128x16xi32, #tpu.memory_space<vmem>>)
    %dma_wait3A_133 = arith.constant 1 : i32
    %dma_wait3A_134 = arith.constant 128 : i32
    %dma_wait3A_135 = arith.constant 0 : i32
    %dma_wait3A_136 = tpu.memref_slice %arg11[%dma_wait3A_134, %dma_wait3A_135] : memref<512x16xi32, #tpu.memory_space<vmem>> -> memref<128x16xi32, #tpu.memory_space<vmem>>
    %dma_wait3A_137 = arith.constant 0 : i32
    %dma_wait3A_138 = tpu.memref_slice %arg9[%dma_wait3A_133, %dma_wait3A_137] : memref<4x128xi32, #tpu.memory_space<vmem>> -> memref<1x128xi32, #tpu.memory_space<vmem>>
    %dma_wait3A_139 = tpu.memref_squeeze %dma_wait3A_138 : memref<1x128xi32, #tpu.memory_space<vmem>> -> memref<128xi32, #tpu.memory_space<vmem>>
    %dma_wait3A_140 = arith.constant 0 : i32
    %dma_wait3A_141 = arith.constant 0 : i32
    %dma_wait3A_142 = tpu.memref_slice %arg4[%dma_wait3A_140, %dma_wait3A_141] : memref<6250x16xi32, #tpu.memory_space<hbm>> -> memref<6250x16xi32, #tpu.memory_space<hbm>>
    tpu.wait_indirect_dma semaphore(%arg12 : memref<!tpu.dma_semaphore, #tpu.memory_space<semaphore_mem>>) src(%dma_wait3A_142 : memref<6250x16xi32, #tpu.memory_space<hbm>>) dst(%dma_wait3A_136 : memref<128x16xi32, #tpu.memory_space<vmem>>)
    %dma_wait3A_143 = arith.constant 2 : i32
    %dma_wait3A_144 = arith.constant 256 : i32
    %dma_wait3A_145 = arith.constant 0 : i32
    %dma_wait3A_146 = tpu.memref_slice %arg11[%dma_wait3A_144, %dma_wait3A_145] : memref<512x16xi32, #tpu.memory_space<vmem>> -> memref<128x16xi32, #tpu.memory_space<vmem>>
    %dma_wait3A_147 = arith.constant 0 : i32
    %dma_wait3A_148 = tpu.memref_slice %arg9[%dma_wait3A_143, %dma_wait3A_147] : memref<4x128xi32, #tpu.memory_space<vmem>> -> memref<1x128xi32, #tpu.memory_space<vmem>>
    %dma_wait3A_149 = tpu.memref_squeeze %dma_wait3A_148 : memref<1x128xi32, #tpu.memory_space<vmem>> -> memref<128xi32, #tpu.memory_space<vmem>>
    %dma_wait3A_150 = arith.constant 0 : i32
    %dma_wait3A_151 = arith.constant 0 : i32
    %dma_wait3A_152 = tpu.memref_slice %arg4[%dma_wait3A_150, %dma_wait3A_151] : memref<6250x16xi32, #tpu.memory_space<hbm>> -> memref<6250x16xi32, #tpu.memory_space<hbm>>
    tpu.wait_indirect_dma semaphore(%arg12 : memref<!tpu.dma_semaphore, #tpu.memory_space<semaphore_mem>>) src(%dma_wait3A_152 : memref<6250x16xi32, #tpu.memory_space<hbm>>) dst(%dma_wait3A_146 : memref<128x16xi32, #tpu.memory_space<vmem>>)
    %dma_wait3A_153 = arith.constant 3 : i32
    %dma_wait3A_154 = arith.constant 384 : i32
    %dma_wait3A_155 = arith.constant 0 : i32
    %dma_wait3A_156 = tpu.memref_slice %arg11[%dma_wait3A_154, %dma_wait3A_155] : memref<512x16xi32, #tpu.memory_space<vmem>> -> memref<128x16xi32, #tpu.memory_space<vmem>>
    %dma_wait3A_157 = arith.constant 0 : i32
    %dma_wait3A_158 = tpu.memref_slice %arg9[%dma_wait3A_153, %dma_wait3A_157] : memref<4x128xi32, #tpu.memory_space<vmem>> -> memref<1x128xi32, #tpu.memory_space<vmem>>
    %dma_wait3A_159 = tpu.memref_squeeze %dma_wait3A_158 : memref<1x128xi32, #tpu.memory_space<vmem>> -> memref<128xi32, #tpu.memory_space<vmem>>
    %dma_wait3A_160 = arith.constant 0 : i32
    %dma_wait3A_161 = arith.constant 0 : i32
    %dma_wait3A_162 = tpu.memref_slice %arg4[%dma_wait3A_160, %dma_wait3A_161] : memref<6250x16xi32, #tpu.memory_space<hbm>> -> memref<6250x16xi32, #tpu.memory_space<hbm>>
    tpu.wait_indirect_dma semaphore(%arg12 : memref<!tpu.dma_semaphore, #tpu.memory_space<semaphore_mem>>) src(%dma_wait3A_162 : memref<6250x16xi32, #tpu.memory_space<hbm>>) dst(%dma_wait3A_156 : memref<128x16xi32, #tpu.memory_space<vmem>>)
    %mul3A_163 = arith.constant 512 : i32
    %mul3A_164 = arith.muli %add3A, %mul3A_163 : i32
    "tpu.region"() ({
      %run_scoped3A = tpu.sem_alloc : memref<!tpu.dma_semaphore, #tpu.memory_space<semaphore_mem>>
      %dma_start3A_167 = arith.constant 0 : i32
      %dma_start3A_168 = tpu.memref_slice %arg6[%mul3A_164, %dma_start3A_167] : memref<16384x16xf32, #tpu.memory_space<hbm>> -> memref<512x16xf32, #tpu.memory_space<hbm>>
      %dma_start3A_169 = arith.constant 0 : i32
      %dma_start3A_170 = tpu.memref_slice %arg6[%mul3A_164, %dma_start3A_169] : memref<16384x16xf32, #tpu.memory_space<hbm>> -> memref<512x16xf32, #tpu.memory_space<hbm>>
      tpu.enqueue_dma source(%arg10 : memref<512x16xf32, #tpu.memory_space<vmem>>) target(%dma_start3A_170 : memref<512x16xf32, #tpu.memory_space<hbm>>) target_semaphore(%run_scoped3A : memref<!tpu.dma_semaphore, #tpu.memory_space<semaphore_mem>>)
      %dma_wait3A_171 = arith.constant 0 : i32
      %dma_wait3A_172 = tpu.memref_slice %arg6[%mul3A_164, %dma_wait3A_171] : memref<16384x16xf32, #tpu.memory_space<hbm>> -> memref<512x16xf32, #tpu.memory_space<hbm>>
      %dma_wait3A_173 = arith.constant 0 : i32
      %dma_wait3A_174 = tpu.memref_slice %arg6[%mul3A_164, %dma_wait3A_173] : memref<16384x16xf32, #tpu.memory_space<hbm>> -> memref<512x16xf32, #tpu.memory_space<hbm>>
      tpu.wait_dma2 semaphore(%run_scoped3A : memref<!tpu.dma_semaphore, #tpu.memory_space<semaphore_mem>>) src(%arg10 : memref<512x16xf32, #tpu.memory_space<vmem>>) dst(%dma_wait3A_174 : memref<512x16xf32, #tpu.memory_space<hbm>>)
      tpu.yield
    }) : () -> ()
    %mul3A_165 = arith.constant 512 : i32
    %mul3A_166 = arith.muli %add3A, %mul3A_165 : i32
    "tpu.region"() ({
      %run_scoped3A = tpu.sem_alloc : memref<!tpu.dma_semaphore, #tpu.memory_space<semaphore_mem>>
      %dma_start3A_167 = arith.constant 0 : i32
      %dma_start3A_168 = tpu.memref_slice %arg7[%mul3A_166, %dma_start3A_167] : memref<16384x16xi32, #tpu.memory_space<hbm>> -> memref<512x16xi32, #tpu.memory_space<hbm>>
      %dma_start3A_169 = arith.constant 0 : i32
      %dma_start3A_170 = tpu.memref_slice %arg7[%mul3A_166, %dma_start3A_169] : memref<16384x16xi32, #tpu.memory_space<hbm>> -> memref<512x16xi32, #tpu.memory_space<hbm>>
      tpu.enqueue_dma source(%arg11 : memref<512x16xi32, #tpu.memory_space<vmem>>) target(%dma_start3A_170 : memref<512x16xi32, #tpu.memory_space<hbm>>) target_semaphore(%run_scoped3A : memref<!tpu.dma_semaphore, #tpu.memory_space<semaphore_mem>>)
      %dma_wait3A_171 = arith.constant 0 : i32
      %dma_wait3A_172 = tpu.memref_slice %arg7[%mul3A_166, %dma_wait3A_171] : memref<16384x16xi32, #tpu.memory_space<hbm>> -> memref<512x16xi32, #tpu.memory_space<hbm>>
      %dma_wait3A_173 = arith.constant 0 : i32
      %dma_wait3A_174 = tpu.memref_slice %arg7[%mul3A_166, %dma_wait3A_173] : memref<16384x16xi32, #tpu.memory_space<hbm>> -> memref<512x16xi32, #tpu.memory_space<hbm>>
      tpu.wait_dma2 semaphore(%run_scoped3A : memref<!tpu.dma_semaphore, #tpu.memory_space<semaphore_mem>>) src(%arg11 : memref<512x16xi32, #tpu.memory_space<vmem>>) dst(%dma_wait3A_174 : memref<512x16xi32, #tpu.memory_space<hbm>>)
      tpu.yield
    }) : () -> ()
    return
  }
}

module attributes {stable_mosaic.version = 14 : i64} {
  func.func @_chunk_stage_kernel(%arg0: i32, %arg1: memref<16x100000xf32, #tpu.memory_space<vmem>>, %arg2: memref<12496x128xf32, #tpu.memory_space<vmem>>, %arg3: memref<128x128xi32, #tpu.memory_space<vmem>>, %arg4: memref<128x128xi32, #tpu.memory_space<vmem>>, %arg5: memref<128x781xf32, #tpu.memory_space<vmem>>) attributes {dimension_semantics = [#tpu.dimension_semantics<arbitrary>], iteration_bounds = array<i64: 8>, scalar_prefetch = 0 : i64, scratch_operands = 1 : i64, tpu.core_type = #tpu.core_type<tc>, window_params = [{transform_indices = @transform_0, window_bounds = array<i64: 16, 100000>}, {transform_indices = @transform_1, window_bounds = array<i64: 12496, 128>}, {pipeline_mode = #tpu.pipeline_mode<synchronous>, transform_indices = @transform_2, window_bounds = array<i64: 128, 128>}, {pipeline_mode = #tpu.pipeline_mode<synchronous>, transform_indices = @transform_3, window_bounds = array<i64: 128, 128>}]} {
    %get3A = arith.constant 0 : index
    %get3A_0 = arith.constant 0 : index
    %get3A_1 = vector.load %arg1[%get3A, %get3A_0] : memref<16x100000xf32, #tpu.memory_space<vmem>>, vector<16x100000xf32>
    %slice3A = vector.extract_strided_slice %get3A_1 {offsets = [0, 0], sizes = [16, 99968], strides = [1, 1]} : vector<16x100000xf32> to vector<16x99968xf32>
    %reshape3A = vector.shape_cast %slice3A : vector<16x99968xf32> to vector<16x781x128xf32>
    %reshape3A_2 = vector.shape_cast %reshape3A : vector<16x781x128xf32> to vector<12496x128xf32>
    %swap3A = arith.constant 0 : index
    %swap3A_3 = arith.constant 0 : index
    %swap3A_4 = vector.load %arg2[%swap3A, %swap3A_3] : memref<12496x128xf32, #tpu.memory_space<vmem>>, vector<12496x128xf32>
    tpu.vector_store %arg2[%swap3A, %swap3A_3], %reshape3A_2 {strides = array<i32>} : memref<12496x128xf32, #tpu.memory_space<vmem>>, vector<12496x128xf32>,
    %reduce_max3A = arith.constant dense<0xFF800000> : vector<16x781xf32>
    %reduce_max3A_5 = vector.multi_reduction <maximumf>, %reshape3A, %reduce_max3A [2] : vector<16x781x128xf32> to vector<16x781xf32>
    %mul3A = arith.constant 16 : i32
    %mul3A_6 = arith.muli %arg0, %mul3A : i32
    %swap3A_7 = arith.index_cast %mul3A_6 : i32 to index
    %swap3A_8 = arith.constant 0 : index
    %swap3A_9 = vector.load %arg5[%swap3A_7, %swap3A_8] : memref<128x781xf32, #tpu.memory_space<vmem>>, vector<16x781xf32>
    tpu.vector_store %arg5[%swap3A_7, %swap3A_8], %reduce_max3A_5 {strides = array<i32>} : memref<128x781xf32, #tpu.memory_space<vmem>>, vector<16x781xf32>,
    %eq3A = arith.constant 7 : i32
    %eq3A_10 = arith.cmpi eq, %arg0, %eq3A : i32
    %convert_element_type3A = arith.extui %eq3A_10 : i1 to i32
    %cond3A = arith.constant 1073741824 : i32
    %cond3A_11 = arith.constant 0 : i32
    %cond3A_12 = arith.cmpi ne, %convert_element_type3A, %cond3A_11 : i32
    scf.if %cond3A_12 {
      %get3A_13 = arith.constant 0 : index
      %get3A_14 = arith.constant 0 : index
      %get3A_15 = vector.load %arg5[%get3A_13, %get3A_14] : memref<128x781xf32, #tpu.memory_space<vmem>>, vector<128x781xf32>
      %iota3A = tpu.iota {dimensions = array<i32: 1>} : vector<128x781xi32>
      %iota3A_16 = tpu.iota {dimensions = array<i32: 1>} : vector<128x128xi32>
      %broadcast_in_dim3A = arith.constant 0 : i32
      %broadcast_in_dim3A_17 = vector.broadcast %broadcast_in_dim3A : i32 to vector<128x128xi32>
      %scan3A = arith.constant 0 : i32
      %scan3A_18 = arith.constant 128 : i32
      %scan3A_19 = arith.addi %scan3A, %scan3A_18 : i32
      %scan3A_20 = arith.constant 8 : i32
      %scan3A_21:2 = scf.for %scan3A_33 = %scan3A to %scan3A_19 step %scan3A_20 iter_args(%scan3A_34 = %get3A_15, %scan3A_35 = %broadcast_in_dim3A_17) -> (vector<128x781xf32>, vector<128x128xi32>)  : i32 {
        %reduce_max3A_36 = arith.constant dense<0xFF800000> : vector<128xf32>
        %reduce_max3A_37 = vector.multi_reduction <maximumf>, %scan3A_34, %reduce_max3A_36 [1] : vector<128x781xf32> to vector<128xf32>
        %broadcast_in_dim3A_38 = vector.shape_cast %reduce_max3A_37 : vector<128xf32> to vector<128x1xf32>
        %eq3A_39 = vector.broadcast %broadcast_in_dim3A_38 : vector<128x1xf32> to vector<128x781xf32>
        %eq3A_40 = arith.cmpf oeq, %scan3A_34, %eq3A_39 : vector<128x781xf32>
        %broadcast_in_dim3A_41 = vector.broadcast %cond3A : i32 to vector<128x781xi32>
        %select_n3A = arith.select %eq3A_40, %iota3A, %broadcast_in_dim3A_41 : vector<128x781xi1>, vector<128x781xi32>
        %reduce_min3A = arith.constant dense<2147483647> : vector<128xi32>
        %reduce_min3A_42 = vector.multi_reduction <minsi>, %select_n3A, %reduce_min3A [1] : vector<128x781xi32> to vector<128xi32>
        %broadcast_in_dim3A_43 = vector.shape_cast %reduce_min3A_42 : vector<128xi32> to vector<128x1xi32>
        %eq3A_44 = vector.broadcast %scan3A_33 : i32 to vector<128x128xi32>
        %eq3A_45 = arith.cmpi eq, %iota3A_16, %eq3A_44 : vector<128x128xi32>
        %broadcast_in_dim3A_46 = vector.shape_cast %broadcast_in_dim3A_43 : vector<128x1xi32> to vector<128x1xi32>
        %broadcast_in_dim3A_47 = vector.broadcast %broadcast_in_dim3A_46 : vector<128x1xi32> to vector<128x128xi32>
        %select_n3A_48 = arith.select %eq3A_45, %broadcast_in_dim3A_47, %scan3A_35 : vector<128x128xi1>, vector<128x128xi32>
        %eq3A_49 = vector.broadcast %broadcast_in_dim3A_43 : vector<128x1xi32> to vector<128x781xi32>
        %eq3A_50 = arith.cmpi eq, %select_n3A, %eq3A_49 : vector<128x781xi32>
        %jit3A = arith.constant 0xFF800000 : f32
        %broadcast_in_dim3A_51 = vector.broadcast %jit3A : f32 to vector<128x781xf32>
        %select_n3A_52 = arith.select %eq3A_50, %broadcast_in_dim3A_51, %scan3A_34 : vector<128x781xi1>, vector<128x781xf32>
        %scan3A_53 = arith.constant 1 : i32
        %scan3A_54 = arith.addi %scan3A_33, %scan3A_53 : i32
        %reduce_max3A_55 = arith.constant dense<0xFF800000> : vector<128xf32>
        %reduce_max3A_56 = vector.multi_reduction <maximumf>, %select_n3A_52, %reduce_max3A_55 [1] : vector<128x781xf32> to vector<128xf32>
        %broadcast_in_dim3A_57 = vector.shape_cast %reduce_max3A_56 : vector<128xf32> to vector<128x1xf32>
        %eq3A_58 = vector.broadcast %broadcast_in_dim3A_57 : vector<128x1xf32> to vector<128x781xf32>
        %eq3A_59 = arith.cmpf oeq, %select_n3A_52, %eq3A_58 : vector<128x781xf32>
        %broadcast_in_dim3A_60 = vector.broadcast %cond3A : i32 to vector<128x781xi32>
        %select_n3A_61 = arith.select %eq3A_59, %iota3A, %broadcast_in_dim3A_60 : vector<128x781xi1>, vector<128x781xi32>
        %reduce_min3A_62 = arith.constant dense<2147483647> : vector<128xi32>
        %reduce_min3A_63 = vector.multi_reduction <minsi>, %select_n3A_61, %reduce_min3A_62 [1] : vector<128x781xi32> to vector<128xi32>
        %broadcast_in_dim3A_64 = vector.shape_cast %reduce_min3A_63 : vector<128xi32> to vector<128x1xi32>
        %eq3A_65 = vector.broadcast %scan3A_54 : i32 to vector<128x128xi32>
        %eq3A_66 = arith.cmpi eq, %iota3A_16, %eq3A_65 : vector<128x128xi32>
        %broadcast_in_dim3A_67 = vector.shape_cast %broadcast_in_dim3A_64 : vector<128x1xi32> to vector<128x1xi32>
        %broadcast_in_dim3A_68 = vector.broadcast %broadcast_in_dim3A_67 : vector<128x1xi32> to vector<128x128xi32>
        %select_n3A_69 = arith.select %eq3A_66, %broadcast_in_dim3A_68, %select_n3A_48 : vector<128x128xi1>, vector<128x128xi32>
        %eq3A_70 = vector.broadcast %broadcast_in_dim3A_64 : vector<128x1xi32> to vector<128x781xi32>
        %eq3A_71 = arith.cmpi eq, %select_n3A_61, %eq3A_70 : vector<128x781xi32>
        %jit3A_72 = arith.constant 0xFF800000 : f32
        %broadcast_in_dim3A_73 = vector.broadcast %jit3A_72 : f32 to vector<128x781xf32>
        %select_n3A_74 = arith.select %eq3A_71, %broadcast_in_dim3A_73, %select_n3A_52 : vector<128x781xi1>, vector<128x781xf32>
        %scan3A_75 = arith.constant 2 : i32
        %scan3A_76 = arith.addi %scan3A_33, %scan3A_75 : i32
        %reduce_max3A_77 = arith.constant dense<0xFF800000> : vector<128xf32>
        %reduce_max3A_78 = vector.multi_reduction <maximumf>, %select_n3A_74, %reduce_max3A_77 [1] : vector<128x781xf32> to vector<128xf32>
        %broadcast_in_dim3A_79 = vector.shape_cast %reduce_max3A_78 : vector<128xf32> to vector<128x1xf32>
        %eq3A_80 = vector.broadcast %broadcast_in_dim3A_79 : vector<128x1xf32> to vector<128x781xf32>
        %eq3A_81 = arith.cmpf oeq, %select_n3A_74, %eq3A_80 : vector<128x781xf32>
        %broadcast_in_dim3A_82 = vector.broadcast %cond3A : i32 to vector<128x781xi32>
        %select_n3A_83 = arith.select %eq3A_81, %iota3A, %broadcast_in_dim3A_82 : vector<128x781xi1>, vector<128x781xi32>
        %reduce_min3A_84 = arith.constant dense<2147483647> : vector<128xi32>
        %reduce_min3A_85 = vector.multi_reduction <minsi>, %select_n3A_83, %reduce_min3A_84 [1] : vector<128x781xi32> to vector<128xi32>
        %broadcast_in_dim3A_86 = vector.shape_cast %reduce_min3A_85 : vector<128xi32> to vector<128x1xi32>
        %eq3A_87 = vector.broadcast %scan3A_76 : i32 to vector<128x128xi32>
        %eq3A_88 = arith.cmpi eq, %iota3A_16, %eq3A_87 : vector<128x128xi32>
        %broadcast_in_dim3A_89 = vector.shape_cast %broadcast_in_dim3A_86 : vector<128x1xi32> to vector<128x1xi32>
        %broadcast_in_dim3A_90 = vector.broadcast %broadcast_in_dim3A_89 : vector<128x1xi32> to vector<128x128xi32>
        %select_n3A_91 = arith.select %eq3A_88, %broadcast_in_dim3A_90, %select_n3A_69 : vector<128x128xi1>, vector<128x128xi32>
        %eq3A_92 = vector.broadcast %broadcast_in_dim3A_86 : vector<128x1xi32> to vector<128x781xi32>
        %eq3A_93 = arith.cmpi eq, %select_n3A_83, %eq3A_92 : vector<128x781xi32>
        %jit3A_94 = arith.constant 0xFF800000 : f32
        %broadcast_in_dim3A_95 = vector.broadcast %jit3A_94 : f32 to vector<128x781xf32>
        %select_n3A_96 = arith.select %eq3A_93, %broadcast_in_dim3A_95, %select_n3A_74 : vector<128x781xi1>, vector<128x781xf32>
        %scan3A_97 = arith.constant 3 : i32
        %scan3A_98 = arith.addi %scan3A_33, %scan3A_97 : i32
        %reduce_max3A_99 = arith.constant dense<0xFF800000> : vector<128xf32>
        %reduce_max3A_100 = vector.multi_reduction <maximumf>, %select_n3A_96, %reduce_max3A_99 [1] : vector<128x781xf32> to vector<128xf32>
        %broadcast_in_dim3A_101 = vector.shape_cast %reduce_max3A_100 : vector<128xf32> to vector<128x1xf32>
        %eq3A_102 = vector.broadcast %broadcast_in_dim3A_101 : vector<128x1xf32> to vector<128x781xf32>
        %eq3A_103 = arith.cmpf oeq, %select_n3A_96, %eq3A_102 : vector<128x781xf32>
        %broadcast_in_dim3A_104 = vector.broadcast %cond3A : i32 to vector<128x781xi32>
        %select_n3A_105 = arith.select %eq3A_103, %iota3A, %broadcast_in_dim3A_104 : vector<128x781xi1>, vector<128x781xi32>
        %reduce_min3A_106 = arith.constant dense<2147483647> : vector<128xi32>
        %reduce_min3A_107 = vector.multi_reduction <minsi>, %select_n3A_105, %reduce_min3A_106 [1] : vector<128x781xi32> to vector<128xi32>
        %broadcast_in_dim3A_108 = vector.shape_cast %reduce_min3A_107 : vector<128xi32> to vector<128x1xi32>
        %eq3A_109 = vector.broadcast %scan3A_98 : i32 to vector<128x128xi32>
        %eq3A_110 = arith.cmpi eq, %iota3A_16, %eq3A_109 : vector<128x128xi32>
        %broadcast_in_dim3A_111 = vector.shape_cast %broadcast_in_dim3A_108 : vector<128x1xi32> to vector<128x1xi32>
        %broadcast_in_dim3A_112 = vector.broadcast %broadcast_in_dim3A_111 : vector<128x1xi32> to vector<128x128xi32>
        %select_n3A_113 = arith.select %eq3A_110, %broadcast_in_dim3A_112, %select_n3A_91 : vector<128x128xi1>, vector<128x128xi32>
        %eq3A_114 = vector.broadcast %broadcast_in_dim3A_108 : vector<128x1xi32> to vector<128x781xi32>
        %eq3A_115 = arith.cmpi eq, %select_n3A_105, %eq3A_114 : vector<128x781xi32>
        %jit3A_116 = arith.constant 0xFF800000 : f32
        %broadcast_in_dim3A_117 = vector.broadcast %jit3A_116 : f32 to vector<128x781xf32>
        %select_n3A_118 = arith.select %eq3A_115, %broadcast_in_dim3A_117, %select_n3A_96 : vector<128x781xi1>, vector<128x781xf32>
        %scan3A_119 = arith.constant 4 : i32
        %scan3A_120 = arith.addi %scan3A_33, %scan3A_119 : i32
        %reduce_max3A_121 = arith.constant dense<0xFF800000> : vector<128xf32>
        %reduce_max3A_122 = vector.multi_reduction <maximumf>, %select_n3A_118, %reduce_max3A_121 [1] : vector<128x781xf32> to vector<128xf32>
        %broadcast_in_dim3A_123 = vector.shape_cast %reduce_max3A_122 : vector<128xf32> to vector<128x1xf32>
        %eq3A_124 = vector.broadcast %broadcast_in_dim3A_123 : vector<128x1xf32> to vector<128x781xf32>
        %eq3A_125 = arith.cmpf oeq, %select_n3A_118, %eq3A_124 : vector<128x781xf32>
        %broadcast_in_dim3A_126 = vector.broadcast %cond3A : i32 to vector<128x781xi32>
        %select_n3A_127 = arith.select %eq3A_125, %iota3A, %broadcast_in_dim3A_126 : vector<128x781xi1>, vector<128x781xi32>
        %reduce_min3A_128 = arith.constant dense<2147483647> : vector<128xi32>
        %reduce_min3A_129 = vector.multi_reduction <minsi>, %select_n3A_127, %reduce_min3A_128 [1] : vector<128x781xi32> to vector<128xi32>
        %broadcast_in_dim3A_130 = vector.shape_cast %reduce_min3A_129 : vector<128xi32> to vector<128x1xi32>
        %eq3A_131 = vector.broadcast %scan3A_120 : i32 to vector<128x128xi32>
        %eq3A_132 = arith.cmpi eq, %iota3A_16, %eq3A_131 : vector<128x128xi32>
        %broadcast_in_dim3A_133 = vector.shape_cast %broadcast_in_dim3A_130 : vector<128x1xi32> to vector<128x1xi32>
        %broadcast_in_dim3A_134 = vector.broadcast %broadcast_in_dim3A_133 : vector<128x1xi32> to vector<128x128xi32>
        %select_n3A_135 = arith.select %eq3A_132, %broadcast_in_dim3A_134, %select_n3A_113 : vector<128x128xi1>, vector<128x128xi32>
        %eq3A_136 = vector.broadcast %broadcast_in_dim3A_130 : vector<128x1xi32> to vector<128x781xi32>
        %eq3A_137 = arith.cmpi eq, %select_n3A_127, %eq3A_136 : vector<128x781xi32>
        %jit3A_138 = arith.constant 0xFF800000 : f32
        %broadcast_in_dim3A_139 = vector.broadcast %jit3A_138 : f32 to vector<128x781xf32>
        %select_n3A_140 = arith.select %eq3A_137, %broadcast_in_dim3A_139, %select_n3A_118 : vector<128x781xi1>, vector<128x781xf32>
        %scan3A_141 = arith.constant 5 : i32
        %scan3A_142 = arith.addi %scan3A_33, %scan3A_141 : i32
        %reduce_max3A_143 = arith.constant dense<0xFF800000> : vector<128xf32>
        %reduce_max3A_144 = vector.multi_reduction <maximumf>, %select_n3A_140, %reduce_max3A_143 [1] : vector<128x781xf32> to vector<128xf32>
        %broadcast_in_dim3A_145 = vector.shape_cast %reduce_max3A_144 : vector<128xf32> to vector<128x1xf32>
        %eq3A_146 = vector.broadcast %broadcast_in_dim3A_145 : vector<128x1xf32> to vector<128x781xf32>
        %eq3A_147 = arith.cmpf oeq, %select_n3A_140, %eq3A_146 : vector<128x781xf32>
        %broadcast_in_dim3A_148 = vector.broadcast %cond3A : i32 to vector<128x781xi32>
        %select_n3A_149 = arith.select %eq3A_147, %iota3A, %broadcast_in_dim3A_148 : vector<128x781xi1>, vector<128x781xi32>
        %reduce_min3A_150 = arith.constant dense<2147483647> : vector<128xi32>
        %reduce_min3A_151 = vector.multi_reduction <minsi>, %select_n3A_149, %reduce_min3A_150 [1] : vector<128x781xi32> to vector<128xi32>
        %broadcast_in_dim3A_152 = vector.shape_cast %reduce_min3A_151 : vector<128xi32> to vector<128x1xi32>
        %eq3A_153 = vector.broadcast %scan3A_142 : i32 to vector<128x128xi32>
        %eq3A_154 = arith.cmpi eq, %iota3A_16, %eq3A_153 : vector<128x128xi32>
        %broadcast_in_dim3A_155 = vector.shape_cast %broadcast_in_dim3A_152 : vector<128x1xi32> to vector<128x1xi32>
        %broadcast_in_dim3A_156 = vector.broadcast %broadcast_in_dim3A_155 : vector<128x1xi32> to vector<128x128xi32>
        %select_n3A_157 = arith.select %eq3A_154, %broadcast_in_dim3A_156, %select_n3A_135 : vector<128x128xi1>, vector<128x128xi32>
        %eq3A_158 = vector.broadcast %broadcast_in_dim3A_152 : vector<128x1xi32> to vector<128x781xi32>
        %eq3A_159 = arith.cmpi eq, %select_n3A_149, %eq3A_158 : vector<128x781xi32>
        %jit3A_160 = arith.constant 0xFF800000 : f32
        %broadcast_in_dim3A_161 = vector.broadcast %jit3A_160 : f32 to vector<128x781xf32>
        %select_n3A_162 = arith.select %eq3A_159, %broadcast_in_dim3A_161, %select_n3A_140 : vector<128x781xi1>, vector<128x781xf32>
        %scan3A_163 = arith.constant 6 : i32
        %scan3A_164 = arith.addi %scan3A_33, %scan3A_163 : i32
        %reduce_max3A_165 = arith.constant dense<0xFF800000> : vector<128xf32>
        %reduce_max3A_166 = vector.multi_reduction <maximumf>, %select_n3A_162, %reduce_max3A_165 [1] : vector<128x781xf32> to vector<128xf32>
        %broadcast_in_dim3A_167 = vector.shape_cast %reduce_max3A_166 : vector<128xf32> to vector<128x1xf32>
        %eq3A_168 = vector.broadcast %broadcast_in_dim3A_167 : vector<128x1xf32> to vector<128x781xf32>
        %eq3A_169 = arith.cmpf oeq, %select_n3A_162, %eq3A_168 : vector<128x781xf32>
        %broadcast_in_dim3A_170 = vector.broadcast %cond3A : i32 to vector<128x781xi32>
        %select_n3A_171 = arith.select %eq3A_169, %iota3A, %broadcast_in_dim3A_170 : vector<128x781xi1>, vector<128x781xi32>
        %reduce_min3A_172 = arith.constant dense<2147483647> : vector<128xi32>
        %reduce_min3A_173 = vector.multi_reduction <minsi>, %select_n3A_171, %reduce_min3A_172 [1] : vector<128x781xi32> to vector<128xi32>
        %broadcast_in_dim3A_174 = vector.shape_cast %reduce_min3A_173 : vector<128xi32> to vector<128x1xi32>
        %eq3A_175 = vector.broadcast %scan3A_164 : i32 to vector<128x128xi32>
        %eq3A_176 = arith.cmpi eq, %iota3A_16, %eq3A_175 : vector<128x128xi32>
        %broadcast_in_dim3A_177 = vector.shape_cast %broadcast_in_dim3A_174 : vector<128x1xi32> to vector<128x1xi32>
        %broadcast_in_dim3A_178 = vector.broadcast %broadcast_in_dim3A_177 : vector<128x1xi32> to vector<128x128xi32>
        %select_n3A_179 = arith.select %eq3A_176, %broadcast_in_dim3A_178, %select_n3A_157 : vector<128x128xi1>, vector<128x128xi32>
        %eq3A_180 = vector.broadcast %broadcast_in_dim3A_174 : vector<128x1xi32> to vector<128x781xi32>
        %eq3A_181 = arith.cmpi eq, %select_n3A_171, %eq3A_180 : vector<128x781xi32>
        %jit3A_182 = arith.constant 0xFF800000 : f32
        %broadcast_in_dim3A_183 = vector.broadcast %jit3A_182 : f32 to vector<128x781xf32>
        %select_n3A_184 = arith.select %eq3A_181, %broadcast_in_dim3A_183, %select_n3A_162 : vector<128x781xi1>, vector<128x781xf32>
        %scan3A_185 = arith.constant 7 : i32
        %scan3A_186 = arith.addi %scan3A_33, %scan3A_185 : i32
        %reduce_max3A_187 = arith.constant dense<0xFF800000> : vector<128xf32>
        %reduce_max3A_188 = vector.multi_reduction <maximumf>, %select_n3A_184, %reduce_max3A_187 [1] : vector<128x781xf32> to vector<128xf32>
        %broadcast_in_dim3A_189 = vector.shape_cast %reduce_max3A_188 : vector<128xf32> to vector<128x1xf32>
        %eq3A_190 = vector.broadcast %broadcast_in_dim3A_189 : vector<128x1xf32> to vector<128x781xf32>
        %eq3A_191 = arith.cmpf oeq, %select_n3A_184, %eq3A_190 : vector<128x781xf32>
        %broadcast_in_dim3A_192 = vector.broadcast %cond3A : i32 to vector<128x781xi32>
        %select_n3A_193 = arith.select %eq3A_191, %iota3A, %broadcast_in_dim3A_192 : vector<128x781xi1>, vector<128x781xi32>
        %reduce_min3A_194 = arith.constant dense<2147483647> : vector<128xi32>
        %reduce_min3A_195 = vector.multi_reduction <minsi>, %select_n3A_193, %reduce_min3A_194 [1] : vector<128x781xi32> to vector<128xi32>
        %broadcast_in_dim3A_196 = vector.shape_cast %reduce_min3A_195 : vector<128xi32> to vector<128x1xi32>
        %eq3A_197 = vector.broadcast %scan3A_186 : i32 to vector<128x128xi32>
        %eq3A_198 = arith.cmpi eq, %iota3A_16, %eq3A_197 : vector<128x128xi32>
        %broadcast_in_dim3A_199 = vector.shape_cast %broadcast_in_dim3A_196 : vector<128x1xi32> to vector<128x1xi32>
        %broadcast_in_dim3A_200 = vector.broadcast %broadcast_in_dim3A_199 : vector<128x1xi32> to vector<128x128xi32>
        %select_n3A_201 = arith.select %eq3A_198, %broadcast_in_dim3A_200, %select_n3A_179 : vector<128x128xi1>, vector<128x128xi32>
        %eq3A_202 = vector.broadcast %broadcast_in_dim3A_196 : vector<128x1xi32> to vector<128x781xi32>
        %eq3A_203 = arith.cmpi eq, %select_n3A_193, %eq3A_202 : vector<128x781xi32>
        %jit3A_204 = arith.constant 0xFF800000 : f32
        %broadcast_in_dim3A_205 = vector.broadcast %jit3A_204 : f32 to vector<128x781xf32>
        %select_n3A_206 = arith.select %eq3A_203, %broadcast_in_dim3A_205, %select_n3A_184 : vector<128x781xi1>, vector<128x781xf32>
        scf.yield %select_n3A_206, %select_n3A_201 : vector<128x781xf32>, vector<128x128xi32>
      }
      %scan3A_22 = arith.constant 128 : i32
      %swap3A_23 = arith.constant 0 : index
      %swap3A_24 = arith.constant 0 : index
      %swap3A_25 = vector.load %arg3[%swap3A_23, %swap3A_24] : memref<128x128xi32, #tpu.memory_space<vmem>>, vector<128x128xi32>
      tpu.vector_store %arg3[%swap3A_23, %swap3A_24], %scan3A_21#1 {strides = array<i32>} : memref<128x128xi32, #tpu.memory_space<vmem>>, vector<128x128xi32>,
      %iota3A_26 = tpu.iota {dimensions = array<i32: 0>} : vector<128x128xi32>
      %mul3A_27 = arith.constant 781 : i32
      %mul3A_28 = vector.broadcast %mul3A_27 : i32 to vector<128x128xi32>
      %mul3A_29 = arith.muli %iota3A_26, %mul3A_28 : vector<128x128xi32>
      %add3A = arith.addi %scan3A_21#1, %mul3A_29 : vector<128x128xi32>
      %swap3A_30 = arith.constant 0 : index
      %swap3A_31 = arith.constant 0 : index
      %swap3A_32 = vector.load %arg4[%swap3A_30, %swap3A_31] : memref<128x128xi32, #tpu.memory_space<vmem>>, vector<128x128xi32>
      tpu.vector_store %arg4[%swap3A_30, %swap3A_31], %add3A {strides = array<i32>} : memref<128x128xi32, #tpu.memory_space<vmem>>, vector<128x128xi32>,
    } else {
    }
    return
  }
  func.func @transform_0(%arg0: i32) -> (i32, i32) {
    %c0_i32 = arith.constant 0 : i32
    %c0_i32_0 = arith.constant 0 : i32
    return %arg0, %c0_i32 : i32, i32
  }
  func.func @transform_1(%arg0: i32) -> (i32, i32) {
    %c0_i32 = arith.constant 0 : i32
    %c0_i32_0 = arith.constant 0 : i32
    return %arg0, %c0_i32 : i32, i32
  }
  func.func @transform_2(%arg0: i32) -> (i32, i32) {
    %c0_i32 = arith.constant 0 : i32
    %c0_i32_0 = arith.constant 0 : i32
    %c0_i32_1 = arith.constant 0 : i32
    return %c0_i32, %c0_i32_0 : i32, i32
  }
  func.func @transform_3(%arg0: i32) -> (i32, i32) {
    %c0_i32 = arith.constant 0 : i32
    %c0_i32_0 = arith.constant 0 : i32
    %c0_i32_1 = arith.constant 0 : i32
    return %c0_i32, %c0_i32_0 : i32, i32
  }
}

module attributes {stable_mosaic.version = 14 : i64} {
  func.func @_sub_stage_kernel(%arg0: i32, %arg1: memref<16x128x128xf32, #tpu.memory_space<vmem>>, %arg2: memref<128x128xi32, #tpu.memory_space<vmem>>, %arg3: memref<128x128xi32, #tpu.memory_space<vmem>>, %arg4: memref<128x128xi32, #tpu.memory_space<vmem>>, %arg5: memref<128x1024xf32, #tpu.memory_space<vmem>>) attributes {dimension_semantics = [#tpu.dimension_semantics<arbitrary>], iteration_bounds = array<i64: 8>, scalar_prefetch = 0 : i64, scratch_operands = 1 : i64, tpu.core_type = #tpu.core_type<tc>, window_params = [{transform_indices = @transform_0, window_bounds = array<i64: 16, 128, 128>}, {pipeline_mode = #tpu.pipeline_mode<synchronous>, transform_indices = @transform_1, window_bounds = array<i64: 128, 128>}, {pipeline_mode = #tpu.pipeline_mode<synchronous>, transform_indices = @transform_2, window_bounds = array<i64: 128, 128>}, {pipeline_mode = #tpu.pipeline_mode<synchronous>, transform_indices = @transform_3, window_bounds = array<i64: 128, 128>}]} {
    %get3A = arith.constant 0 : index
    %get3A_0 = arith.constant 0 : index
    %get3A_1 = arith.constant 0 : index
    %get3A_2 = vector.load %arg1[%get3A, %get3A_0, %get3A_1] : memref<16x128x128xf32, #tpu.memory_space<vmem>>, vector<16x128x128xf32>
    %reshape3A = vector.shape_cast %get3A_2 : vector<16x128x128xf32> to vector<16x128x8x16xf32>
    %reduce_max3A = arith.constant dense<0xFF800000> : vector<16x128x8xf32>
    %reduce_max3A_3 = vector.multi_reduction <maximumf>, %reshape3A, %reduce_max3A [3] : vector<16x128x8x16xf32> to vector<16x128x8xf32>
    %reshape3A_4 = vector.shape_cast %reduce_max3A_3 : vector<16x128x8xf32> to vector<16x1024xf32>
    %mul3A = arith.constant 16 : i32
    %mul3A_5 = arith.muli %arg0, %mul3A : i32
    %swap3A = arith.index_cast %mul3A_5 : i32 to index
    %swap3A_6 = arith.constant 0 : index
    %swap3A_7 = vector.load %arg5[%swap3A, %swap3A_6] : memref<128x1024xf32, #tpu.memory_space<vmem>>, vector<16x1024xf32>
    tpu.vector_store %arg5[%swap3A, %swap3A_6], %reshape3A_4 {strides = array<i32>} : memref<128x1024xf32, #tpu.memory_space<vmem>>, vector<16x1024xf32>,
    %eq3A = arith.constant 7 : i32
    %eq3A_8 = arith.cmpi eq, %arg0, %eq3A : i32
    %convert_element_type3A = arith.extui %eq3A_8 : i1 to i32
    %cond3A = arith.constant 1073741824 : i32
    %cond3A_9 = arith.constant 0 : i32
    %cond3A_10 = arith.cmpi ne, %convert_element_type3A, %cond3A_9 : i32
    scf.if %cond3A_10 {
      %get3A_11 = arith.constant 0 : index
      %get3A_12 = arith.constant 0 : index
      %get3A_13 = vector.load %arg5[%get3A_11, %get3A_12] : memref<128x1024xf32, #tpu.memory_space<vmem>>, vector<128x1024xf32>
      %get3A_14 = arith.constant 0 : index
      %get3A_15 = arith.constant 0 : index
      %get3A_16 = vector.load %arg2[%get3A_14, %get3A_15] : memref<128x128xi32, #tpu.memory_space<vmem>>, vector<128x128xi32>
      %broadcast_in_dim3A = vector.shape_cast %get3A_16 : vector<128x128xi32> to vector<128x128x1xi32>
      %broadcast_in_dim3A_17 = vector.shape_cast %broadcast_in_dim3A : vector<128x128x1xi32> to vector<128x128x1xi32>
      %broadcast_in_dim3A_18 = vector.broadcast %broadcast_in_dim3A_17 : vector<128x128x1xi32> to vector<128x128x8xi32>
      %iota3A = tpu.iota {dimensions = array<i32: 2>} : vector<128x128x8xi32>
      %mul3A_19 = arith.constant 8 : i32
      %mul3A_20 = vector.broadcast %mul3A_19 : i32 to vector<128x128x8xi32>
      %mul3A_21 = arith.muli %broadcast_in_dim3A_18, %mul3A_20 : vector<128x128x8xi32>
      %add3A = arith.addi %mul3A_21, %iota3A : vector<128x128x8xi32>
      %reshape3A_22 = vector.shape_cast %add3A : vector<128x128x8xi32> to vector<128x1024xi32>
      %iota3A_23 = tpu.iota {dimensions = array<i32: 1>} : vector<128x1024xi32>
      %iota3A_24 = tpu.iota {dimensions = array<i32: 1>} : vector<128x128xi32>
      %broadcast_in_dim3A_25 = arith.constant 0 : i32
      %broadcast_in_dim3A_26 = vector.broadcast %broadcast_in_dim3A_25 : i32 to vector<128x128xi32>
      %scan3A = arith.constant 0 : i32
      %scan3A_27 = arith.constant 128 : i32
      %scan3A_28 = arith.addi %scan3A, %scan3A_27 : i32
      %scan3A_29 = arith.constant 8 : i32
      %scan3A_30:2 = scf.for %scan3A_43 = %scan3A to %scan3A_28 step %scan3A_29 iter_args(%scan3A_44 = %get3A_13, %scan3A_45 = %broadcast_in_dim3A_26) -> (vector<128x1024xf32>, vector<128x128xi32>)  : i32 {
        %reduce_max3A_46 = arith.constant dense<0xFF800000> : vector<128xf32>
        %reduce_max3A_47 = vector.multi_reduction <maximumf>, %scan3A_44, %reduce_max3A_46 [1] : vector<128x1024xf32> to vector<128xf32>
        %broadcast_in_dim3A_48 = vector.shape_cast %reduce_max3A_47 : vector<128xf32> to vector<128x1xf32>
        %eq3A_49 = vector.broadcast %broadcast_in_dim3A_48 : vector<128x1xf32> to vector<128x1024xf32>
        %eq3A_50 = arith.cmpf oeq, %scan3A_44, %eq3A_49 : vector<128x1024xf32>
        %broadcast_in_dim3A_51 = vector.broadcast %cond3A : i32 to vector<128x1024xi32>
        %select_n3A = arith.select %eq3A_50, %iota3A_23, %broadcast_in_dim3A_51 : vector<128x1024xi1>, vector<128x1024xi32>
        %reduce_min3A = arith.constant dense<2147483647> : vector<128xi32>
        %reduce_min3A_52 = vector.multi_reduction <minsi>, %select_n3A, %reduce_min3A [1] : vector<128x1024xi32> to vector<128xi32>
        %broadcast_in_dim3A_53 = vector.shape_cast %reduce_min3A_52 : vector<128xi32> to vector<128x1xi32>
        %eq3A_54 = vector.broadcast %broadcast_in_dim3A_53 : vector<128x1xi32> to vector<128x1024xi32>
        %eq3A_55 = arith.cmpi eq, %select_n3A, %eq3A_54 : vector<128x1024xi32>
        %broadcast_in_dim3A_56 = vector.broadcast %cond3A : i32 to vector<128x1024xi32>
        %select_n3A_57 = arith.select %eq3A_55, %reshape3A_22, %broadcast_in_dim3A_56 : vector<128x1024xi1>, vector<128x1024xi32>
        %reduce_min3A_58 = arith.constant dense<2147483647> : vector<128xi32>
        %reduce_min3A_59 = vector.multi_reduction <minsi>, %select_n3A_57, %reduce_min3A_58 [1] : vector<128x1024xi32> to vector<128xi32>
        %broadcast_in_dim3A_60 = vector.shape_cast %reduce_min3A_59 : vector<128xi32> to vector<128x1xi32>
        %eq3A_61 = vector.broadcast %scan3A_43 : i32 to vector<128x128xi32>
        %eq3A_62 = arith.cmpi eq, %iota3A_24, %eq3A_61 : vector<128x128xi32>
        %broadcast_in_dim3A_63 = vector.shape_cast %broadcast_in_dim3A_60 : vector<128x1xi32> to vector<128x1xi32>
        %broadcast_in_dim3A_64 = vector.broadcast %broadcast_in_dim3A_63 : vector<128x1xi32> to vector<128x128xi32>
        %select_n3A_65 = arith.select %eq3A_62, %broadcast_in_dim3A_64, %scan3A_45 : vector<128x128xi1>, vector<128x128xi32>
        %jit3A = arith.constant 0xFF800000 : f32
        %broadcast_in_dim3A_66 = vector.broadcast %jit3A : f32 to vector<128x1024xf32>
        %select_n3A_67 = arith.select %eq3A_55, %broadcast_in_dim3A_66, %scan3A_44 : vector<128x1024xi1>, vector<128x1024xf32>
        %scan3A_68 = arith.constant 1 : i32
        %scan3A_69 = arith.addi %scan3A_43, %scan3A_68 : i32
        %reduce_max3A_70 = arith.constant dense<0xFF800000> : vector<128xf32>
        %reduce_max3A_71 = vector.multi_reduction <maximumf>, %select_n3A_67, %reduce_max3A_70 [1] : vector<128x1024xf32> to vector<128xf32>
        %broadcast_in_dim3A_72 = vector.shape_cast %reduce_max3A_71 : vector<128xf32> to vector<128x1xf32>
        %eq3A_73 = vector.broadcast %broadcast_in_dim3A_72 : vector<128x1xf32> to vector<128x1024xf32>
        %eq3A_74 = arith.cmpf oeq, %select_n3A_67, %eq3A_73 : vector<128x1024xf32>
        %broadcast_in_dim3A_75 = vector.broadcast %cond3A : i32 to vector<128x1024xi32>
        %select_n3A_76 = arith.select %eq3A_74, %iota3A_23, %broadcast_in_dim3A_75 : vector<128x1024xi1>, vector<128x1024xi32>
        %reduce_min3A_77 = arith.constant dense<2147483647> : vector<128xi32>
        %reduce_min3A_78 = vector.multi_reduction <minsi>, %select_n3A_76, %reduce_min3A_77 [1] : vector<128x1024xi32> to vector<128xi32>
        %broadcast_in_dim3A_79 = vector.shape_cast %reduce_min3A_78 : vector<128xi32> to vector<128x1xi32>
        %eq3A_80 = vector.broadcast %broadcast_in_dim3A_79 : vector<128x1xi32> to vector<128x1024xi32>
        %eq3A_81 = arith.cmpi eq, %select_n3A_76, %eq3A_80 : vector<128x1024xi32>
        %broadcast_in_dim3A_82 = vector.broadcast %cond3A : i32 to vector<128x1024xi32>
        %select_n3A_83 = arith.select %eq3A_81, %reshape3A_22, %broadcast_in_dim3A_82 : vector<128x1024xi1>, vector<128x1024xi32>
        %reduce_min3A_84 = arith.constant dense<2147483647> : vector<128xi32>
        %reduce_min3A_85 = vector.multi_reduction <minsi>, %select_n3A_83, %reduce_min3A_84 [1] : vector<128x1024xi32> to vector<128xi32>
        %broadcast_in_dim3A_86 = vector.shape_cast %reduce_min3A_85 : vector<128xi32> to vector<128x1xi32>
        %eq3A_87 = vector.broadcast %scan3A_69 : i32 to vector<128x128xi32>
        %eq3A_88 = arith.cmpi eq, %iota3A_24, %eq3A_87 : vector<128x128xi32>
        %broadcast_in_dim3A_89 = vector.shape_cast %broadcast_in_dim3A_86 : vector<128x1xi32> to vector<128x1xi32>
        %broadcast_in_dim3A_90 = vector.broadcast %broadcast_in_dim3A_89 : vector<128x1xi32> to vector<128x128xi32>
        %select_n3A_91 = arith.select %eq3A_88, %broadcast_in_dim3A_90, %select_n3A_65 : vector<128x128xi1>, vector<128x128xi32>
        %jit3A_92 = arith.constant 0xFF800000 : f32
        %broadcast_in_dim3A_93 = vector.broadcast %jit3A_92 : f32 to vector<128x1024xf32>
        %select_n3A_94 = arith.select %eq3A_81, %broadcast_in_dim3A_93, %select_n3A_67 : vector<128x1024xi1>, vector<128x1024xf32>
        %scan3A_95 = arith.constant 2 : i32
        %scan3A_96 = arith.addi %scan3A_43, %scan3A_95 : i32
        %reduce_max3A_97 = arith.constant dense<0xFF800000> : vector<128xf32>
        %reduce_max3A_98 = vector.multi_reduction <maximumf>, %select_n3A_94, %reduce_max3A_97 [1] : vector<128x1024xf32> to vector<128xf32>
        %broadcast_in_dim3A_99 = vector.shape_cast %reduce_max3A_98 : vector<128xf32> to vector<128x1xf32>
        %eq3A_100 = vector.broadcast %broadcast_in_dim3A_99 : vector<128x1xf32> to vector<128x1024xf32>
        %eq3A_101 = arith.cmpf oeq, %select_n3A_94, %eq3A_100 : vector<128x1024xf32>
        %broadcast_in_dim3A_102 = vector.broadcast %cond3A : i32 to vector<128x1024xi32>
        %select_n3A_103 = arith.select %eq3A_101, %iota3A_23, %broadcast_in_dim3A_102 : vector<128x1024xi1>, vector<128x1024xi32>
        %reduce_min3A_104 = arith.constant dense<2147483647> : vector<128xi32>
        %reduce_min3A_105 = vector.multi_reduction <minsi>, %select_n3A_103, %reduce_min3A_104 [1] : vector<128x1024xi32> to vector<128xi32>
        %broadcast_in_dim3A_106 = vector.shape_cast %reduce_min3A_105 : vector<128xi32> to vector<128x1xi32>
        %eq3A_107 = vector.broadcast %broadcast_in_dim3A_106 : vector<128x1xi32> to vector<128x1024xi32>
        %eq3A_108 = arith.cmpi eq, %select_n3A_103, %eq3A_107 : vector<128x1024xi32>
        %broadcast_in_dim3A_109 = vector.broadcast %cond3A : i32 to vector<128x1024xi32>
        %select_n3A_110 = arith.select %eq3A_108, %reshape3A_22, %broadcast_in_dim3A_109 : vector<128x1024xi1>, vector<128x1024xi32>
        %reduce_min3A_111 = arith.constant dense<2147483647> : vector<128xi32>
        %reduce_min3A_112 = vector.multi_reduction <minsi>, %select_n3A_110, %reduce_min3A_111 [1] : vector<128x1024xi32> to vector<128xi32>
        %broadcast_in_dim3A_113 = vector.shape_cast %reduce_min3A_112 : vector<128xi32> to vector<128x1xi32>
        %eq3A_114 = vector.broadcast %scan3A_96 : i32 to vector<128x128xi32>
        %eq3A_115 = arith.cmpi eq, %iota3A_24, %eq3A_114 : vector<128x128xi32>
        %broadcast_in_dim3A_116 = vector.shape_cast %broadcast_in_dim3A_113 : vector<128x1xi32> to vector<128x1xi32>
        %broadcast_in_dim3A_117 = vector.broadcast %broadcast_in_dim3A_116 : vector<128x1xi32> to vector<128x128xi32>
        %select_n3A_118 = arith.select %eq3A_115, %broadcast_in_dim3A_117, %select_n3A_91 : vector<128x128xi1>, vector<128x128xi32>
        %jit3A_119 = arith.constant 0xFF800000 : f32
        %broadcast_in_dim3A_120 = vector.broadcast %jit3A_119 : f32 to vector<128x1024xf32>
        %select_n3A_121 = arith.select %eq3A_108, %broadcast_in_dim3A_120, %select_n3A_94 : vector<128x1024xi1>, vector<128x1024xf32>
        %scan3A_122 = arith.constant 3 : i32
        %scan3A_123 = arith.addi %scan3A_43, %scan3A_122 : i32
        %reduce_max3A_124 = arith.constant dense<0xFF800000> : vector<128xf32>
        %reduce_max3A_125 = vector.multi_reduction <maximumf>, %select_n3A_121, %reduce_max3A_124 [1] : vector<128x1024xf32> to vector<128xf32>
        %broadcast_in_dim3A_126 = vector.shape_cast %reduce_max3A_125 : vector<128xf32> to vector<128x1xf32>
        %eq3A_127 = vector.broadcast %broadcast_in_dim3A_126 : vector<128x1xf32> to vector<128x1024xf32>
        %eq3A_128 = arith.cmpf oeq, %select_n3A_121, %eq3A_127 : vector<128x1024xf32>
        %broadcast_in_dim3A_129 = vector.broadcast %cond3A : i32 to vector<128x1024xi32>
        %select_n3A_130 = arith.select %eq3A_128, %iota3A_23, %broadcast_in_dim3A_129 : vector<128x1024xi1>, vector<128x1024xi32>
        %reduce_min3A_131 = arith.constant dense<2147483647> : vector<128xi32>
        %reduce_min3A_132 = vector.multi_reduction <minsi>, %select_n3A_130, %reduce_min3A_131 [1] : vector<128x1024xi32> to vector<128xi32>
        %broadcast_in_dim3A_133 = vector.shape_cast %reduce_min3A_132 : vector<128xi32> to vector<128x1xi32>
        %eq3A_134 = vector.broadcast %broadcast_in_dim3A_133 : vector<128x1xi32> to vector<128x1024xi32>
        %eq3A_135 = arith.cmpi eq, %select_n3A_130, %eq3A_134 : vector<128x1024xi32>
        %broadcast_in_dim3A_136 = vector.broadcast %cond3A : i32 to vector<128x1024xi32>
        %select_n3A_137 = arith.select %eq3A_135, %reshape3A_22, %broadcast_in_dim3A_136 : vector<128x1024xi1>, vector<128x1024xi32>
        %reduce_min3A_138 = arith.constant dense<2147483647> : vector<128xi32>
        %reduce_min3A_139 = vector.multi_reduction <minsi>, %select_n3A_137, %reduce_min3A_138 [1] : vector<128x1024xi32> to vector<128xi32>
        %broadcast_in_dim3A_140 = vector.shape_cast %reduce_min3A_139 : vector<128xi32> to vector<128x1xi32>
        %eq3A_141 = vector.broadcast %scan3A_123 : i32 to vector<128x128xi32>
        %eq3A_142 = arith.cmpi eq, %iota3A_24, %eq3A_141 : vector<128x128xi32>
        %broadcast_in_dim3A_143 = vector.shape_cast %broadcast_in_dim3A_140 : vector<128x1xi32> to vector<128x1xi32>
        %broadcast_in_dim3A_144 = vector.broadcast %broadcast_in_dim3A_143 : vector<128x1xi32> to vector<128x128xi32>
        %select_n3A_145 = arith.select %eq3A_142, %broadcast_in_dim3A_144, %select_n3A_118 : vector<128x128xi1>, vector<128x128xi32>
        %jit3A_146 = arith.constant 0xFF800000 : f32
        %broadcast_in_dim3A_147 = vector.broadcast %jit3A_146 : f32 to vector<128x1024xf32>
        %select_n3A_148 = arith.select %eq3A_135, %broadcast_in_dim3A_147, %select_n3A_121 : vector<128x1024xi1>, vector<128x1024xf32>
        %scan3A_149 = arith.constant 4 : i32
        %scan3A_150 = arith.addi %scan3A_43, %scan3A_149 : i32
        %reduce_max3A_151 = arith.constant dense<0xFF800000> : vector<128xf32>
        %reduce_max3A_152 = vector.multi_reduction <maximumf>, %select_n3A_148, %reduce_max3A_151 [1] : vector<128x1024xf32> to vector<128xf32>
        %broadcast_in_dim3A_153 = vector.shape_cast %reduce_max3A_152 : vector<128xf32> to vector<128x1xf32>
        %eq3A_154 = vector.broadcast %broadcast_in_dim3A_153 : vector<128x1xf32> to vector<128x1024xf32>
        %eq3A_155 = arith.cmpf oeq, %select_n3A_148, %eq3A_154 : vector<128x1024xf32>
        %broadcast_in_dim3A_156 = vector.broadcast %cond3A : i32 to vector<128x1024xi32>
        %select_n3A_157 = arith.select %eq3A_155, %iota3A_23, %broadcast_in_dim3A_156 : vector<128x1024xi1>, vector<128x1024xi32>
        %reduce_min3A_158 = arith.constant dense<2147483647> : vector<128xi32>
        %reduce_min3A_159 = vector.multi_reduction <minsi>, %select_n3A_157, %reduce_min3A_158 [1] : vector<128x1024xi32> to vector<128xi32>
        %broadcast_in_dim3A_160 = vector.shape_cast %reduce_min3A_159 : vector<128xi32> to vector<128x1xi32>
        %eq3A_161 = vector.broadcast %broadcast_in_dim3A_160 : vector<128x1xi32> to vector<128x1024xi32>
        %eq3A_162 = arith.cmpi eq, %select_n3A_157, %eq3A_161 : vector<128x1024xi32>
        %broadcast_in_dim3A_163 = vector.broadcast %cond3A : i32 to vector<128x1024xi32>
        %select_n3A_164 = arith.select %eq3A_162, %reshape3A_22, %broadcast_in_dim3A_163 : vector<128x1024xi1>, vector<128x1024xi32>
        %reduce_min3A_165 = arith.constant dense<2147483647> : vector<128xi32>
        %reduce_min3A_166 = vector.multi_reduction <minsi>, %select_n3A_164, %reduce_min3A_165 [1] : vector<128x1024xi32> to vector<128xi32>
        %broadcast_in_dim3A_167 = vector.shape_cast %reduce_min3A_166 : vector<128xi32> to vector<128x1xi32>
        %eq3A_168 = vector.broadcast %scan3A_150 : i32 to vector<128x128xi32>
        %eq3A_169 = arith.cmpi eq, %iota3A_24, %eq3A_168 : vector<128x128xi32>
        %broadcast_in_dim3A_170 = vector.shape_cast %broadcast_in_dim3A_167 : vector<128x1xi32> to vector<128x1xi32>
        %broadcast_in_dim3A_171 = vector.broadcast %broadcast_in_dim3A_170 : vector<128x1xi32> to vector<128x128xi32>
        %select_n3A_172 = arith.select %eq3A_169, %broadcast_in_dim3A_171, %select_n3A_145 : vector<128x128xi1>, vector<128x128xi32>
        %jit3A_173 = arith.constant 0xFF800000 : f32
        %broadcast_in_dim3A_174 = vector.broadcast %jit3A_173 : f32 to vector<128x1024xf32>
        %select_n3A_175 = arith.select %eq3A_162, %broadcast_in_dim3A_174, %select_n3A_148 : vector<128x1024xi1>, vector<128x1024xf32>
        %scan3A_176 = arith.constant 5 : i32
        %scan3A_177 = arith.addi %scan3A_43, %scan3A_176 : i32
        %reduce_max3A_178 = arith.constant dense<0xFF800000> : vector<128xf32>
        %reduce_max3A_179 = vector.multi_reduction <maximumf>, %select_n3A_175, %reduce_max3A_178 [1] : vector<128x1024xf32> to vector<128xf32>
        %broadcast_in_dim3A_180 = vector.shape_cast %reduce_max3A_179 : vector<128xf32> to vector<128x1xf32>
        %eq3A_181 = vector.broadcast %broadcast_in_dim3A_180 : vector<128x1xf32> to vector<128x1024xf32>
        %eq3A_182 = arith.cmpf oeq, %select_n3A_175, %eq3A_181 : vector<128x1024xf32>
        %broadcast_in_dim3A_183 = vector.broadcast %cond3A : i32 to vector<128x1024xi32>
        %select_n3A_184 = arith.select %eq3A_182, %iota3A_23, %broadcast_in_dim3A_183 : vector<128x1024xi1>, vector<128x1024xi32>
        %reduce_min3A_185 = arith.constant dense<2147483647> : vector<128xi32>
        %reduce_min3A_186 = vector.multi_reduction <minsi>, %select_n3A_184, %reduce_min3A_185 [1] : vector<128x1024xi32> to vector<128xi32>
        %broadcast_in_dim3A_187 = vector.shape_cast %reduce_min3A_186 : vector<128xi32> to vector<128x1xi32>
        %eq3A_188 = vector.broadcast %broadcast_in_dim3A_187 : vector<128x1xi32> to vector<128x1024xi32>
        %eq3A_189 = arith.cmpi eq, %select_n3A_184, %eq3A_188 : vector<128x1024xi32>
        %broadcast_in_dim3A_190 = vector.broadcast %cond3A : i32 to vector<128x1024xi32>
        %select_n3A_191 = arith.select %eq3A_189, %reshape3A_22, %broadcast_in_dim3A_190 : vector<128x1024xi1>, vector<128x1024xi32>
        %reduce_min3A_192 = arith.constant dense<2147483647> : vector<128xi32>
        %reduce_min3A_193 = vector.multi_reduction <minsi>, %select_n3A_191, %reduce_min3A_192 [1] : vector<128x1024xi32> to vector<128xi32>
        %broadcast_in_dim3A_194 = vector.shape_cast %reduce_min3A_193 : vector<128xi32> to vector<128x1xi32>
        %eq3A_195 = vector.broadcast %scan3A_177 : i32 to vector<128x128xi32>
        %eq3A_196 = arith.cmpi eq, %iota3A_24, %eq3A_195 : vector<128x128xi32>
        %broadcast_in_dim3A_197 = vector.shape_cast %broadcast_in_dim3A_194 : vector<128x1xi32> to vector<128x1xi32>
        %broadcast_in_dim3A_198 = vector.broadcast %broadcast_in_dim3A_197 : vector<128x1xi32> to vector<128x128xi32>
        %select_n3A_199 = arith.select %eq3A_196, %broadcast_in_dim3A_198, %select_n3A_172 : vector<128x128xi1>, vector<128x128xi32>
        %jit3A_200 = arith.constant 0xFF800000 : f32
        %broadcast_in_dim3A_201 = vector.broadcast %jit3A_200 : f32 to vector<128x1024xf32>
        %select_n3A_202 = arith.select %eq3A_189, %broadcast_in_dim3A_201, %select_n3A_175 : vector<128x1024xi1>, vector<128x1024xf32>
        %scan3A_203 = arith.constant 6 : i32
        %scan3A_204 = arith.addi %scan3A_43, %scan3A_203 : i32
        %reduce_max3A_205 = arith.constant dense<0xFF800000> : vector<128xf32>
        %reduce_max3A_206 = vector.multi_reduction <maximumf>, %select_n3A_202, %reduce_max3A_205 [1] : vector<128x1024xf32> to vector<128xf32>
        %broadcast_in_dim3A_207 = vector.shape_cast %reduce_max3A_206 : vector<128xf32> to vector<128x1xf32>
        %eq3A_208 = vector.broadcast %broadcast_in_dim3A_207 : vector<128x1xf32> to vector<128x1024xf32>
        %eq3A_209 = arith.cmpf oeq, %select_n3A_202, %eq3A_208 : vector<128x1024xf32>
        %broadcast_in_dim3A_210 = vector.broadcast %cond3A : i32 to vector<128x1024xi32>
        %select_n3A_211 = arith.select %eq3A_209, %iota3A_23, %broadcast_in_dim3A_210 : vector<128x1024xi1>, vector<128x1024xi32>
        %reduce_min3A_212 = arith.constant dense<2147483647> : vector<128xi32>
        %reduce_min3A_213 = vector.multi_reduction <minsi>, %select_n3A_211, %reduce_min3A_212 [1] : vector<128x1024xi32> to vector<128xi32>
        %broadcast_in_dim3A_214 = vector.shape_cast %reduce_min3A_213 : vector<128xi32> to vector<128x1xi32>
        %eq3A_215 = vector.broadcast %broadcast_in_dim3A_214 : vector<128x1xi32> to vector<128x1024xi32>
        %eq3A_216 = arith.cmpi eq, %select_n3A_211, %eq3A_215 : vector<128x1024xi32>
        %broadcast_in_dim3A_217 = vector.broadcast %cond3A : i32 to vector<128x1024xi32>
        %select_n3A_218 = arith.select %eq3A_216, %reshape3A_22, %broadcast_in_dim3A_217 : vector<128x1024xi1>, vector<128x1024xi32>
        %reduce_min3A_219 = arith.constant dense<2147483647> : vector<128xi32>
        %reduce_min3A_220 = vector.multi_reduction <minsi>, %select_n3A_218, %reduce_min3A_219 [1] : vector<128x1024xi32> to vector<128xi32>
        %broadcast_in_dim3A_221 = vector.shape_cast %reduce_min3A_220 : vector<128xi32> to vector<128x1xi32>
        %eq3A_222 = vector.broadcast %scan3A_204 : i32 to vector<128x128xi32>
        %eq3A_223 = arith.cmpi eq, %iota3A_24, %eq3A_222 : vector<128x128xi32>
        %broadcast_in_dim3A_224 = vector.shape_cast %broadcast_in_dim3A_221 : vector<128x1xi32> to vector<128x1xi32>
        %broadcast_in_dim3A_225 = vector.broadcast %broadcast_in_dim3A_224 : vector<128x1xi32> to vector<128x128xi32>
        %select_n3A_226 = arith.select %eq3A_223, %broadcast_in_dim3A_225, %select_n3A_199 : vector<128x128xi1>, vector<128x128xi32>
        %jit3A_227 = arith.constant 0xFF800000 : f32
        %broadcast_in_dim3A_228 = vector.broadcast %jit3A_227 : f32 to vector<128x1024xf32>
        %select_n3A_229 = arith.select %eq3A_216, %broadcast_in_dim3A_228, %select_n3A_202 : vector<128x1024xi1>, vector<128x1024xf32>
        %scan3A_230 = arith.constant 7 : i32
        %scan3A_231 = arith.addi %scan3A_43, %scan3A_230 : i32
        %reduce_max3A_232 = arith.constant dense<0xFF800000> : vector<128xf32>
        %reduce_max3A_233 = vector.multi_reduction <maximumf>, %select_n3A_229, %reduce_max3A_232 [1] : vector<128x1024xf32> to vector<128xf32>
        %broadcast_in_dim3A_234 = vector.shape_cast %reduce_max3A_233 : vector<128xf32> to vector<128x1xf32>
        %eq3A_235 = vector.broadcast %broadcast_in_dim3A_234 : vector<128x1xf32> to vector<128x1024xf32>
        %eq3A_236 = arith.cmpf oeq, %select_n3A_229, %eq3A_235 : vector<128x1024xf32>
        %broadcast_in_dim3A_237 = vector.broadcast %cond3A : i32 to vector<128x1024xi32>
        %select_n3A_238 = arith.select %eq3A_236, %iota3A_23, %broadcast_in_dim3A_237 : vector<128x1024xi1>, vector<128x1024xi32>
        %reduce_min3A_239 = arith.constant dense<2147483647> : vector<128xi32>
        %reduce_min3A_240 = vector.multi_reduction <minsi>, %select_n3A_238, %reduce_min3A_239 [1] : vector<128x1024xi32> to vector<128xi32>
        %broadcast_in_dim3A_241 = vector.shape_cast %reduce_min3A_240 : vector<128xi32> to vector<128x1xi32>
        %eq3A_242 = vector.broadcast %broadcast_in_dim3A_241 : vector<128x1xi32> to vector<128x1024xi32>
        %eq3A_243 = arith.cmpi eq, %select_n3A_238, %eq3A_242 : vector<128x1024xi32>
        %broadcast_in_dim3A_244 = vector.broadcast %cond3A : i32 to vector<128x1024xi32>
        %select_n3A_245 = arith.select %eq3A_243, %reshape3A_22, %broadcast_in_dim3A_244 : vector<128x1024xi1>, vector<128x1024xi32>
        %reduce_min3A_246 = arith.constant dense<2147483647> : vector<128xi32>
        %reduce_min3A_247 = vector.multi_reduction <minsi>, %select_n3A_245, %reduce_min3A_246 [1] : vector<128x1024xi32> to vector<128xi32>
        %broadcast_in_dim3A_248 = vector.shape_cast %reduce_min3A_247 : vector<128xi32> to vector<128x1xi32>
        %eq3A_249 = vector.broadcast %scan3A_231 : i32 to vector<128x128xi32>
        %eq3A_250 = arith.cmpi eq, %iota3A_24, %eq3A_249 : vector<128x128xi32>
        %broadcast_in_dim3A_251 = vector.shape_cast %broadcast_in_dim3A_248 : vector<128x1xi32> to vector<128x1xi32>
        %broadcast_in_dim3A_252 = vector.broadcast %broadcast_in_dim3A_251 : vector<128x1xi32> to vector<128x128xi32>
        %select_n3A_253 = arith.select %eq3A_250, %broadcast_in_dim3A_252, %select_n3A_226 : vector<128x128xi1>, vector<128x128xi32>
        %jit3A_254 = arith.constant 0xFF800000 : f32
        %broadcast_in_dim3A_255 = vector.broadcast %jit3A_254 : f32 to vector<128x1024xf32>
        %select_n3A_256 = arith.select %eq3A_243, %broadcast_in_dim3A_255, %select_n3A_229 : vector<128x1024xi1>, vector<128x1024xf32>
        scf.yield %select_n3A_256, %select_n3A_253 : vector<128x1024xf32>, vector<128x128xi32>
      }
      %scan3A_31 = arith.constant 128 : i32
      %swap3A_32 = arith.constant 0 : index
      %swap3A_33 = arith.constant 0 : index
      %swap3A_34 = vector.load %arg3[%swap3A_32, %swap3A_33] : memref<128x128xi32, #tpu.memory_space<vmem>>, vector<128x128xi32>
      tpu.vector_store %arg3[%swap3A_32, %swap3A_33], %scan3A_30#1 {strides = array<i32>} : memref<128x128xi32, #tpu.memory_space<vmem>>, vector<128x128xi32>,
      %iota3A_35 = tpu.iota {dimensions = array<i32: 0>} : vector<128x128xi32>
      %mul3A_36 = arith.constant 6250 : i32
      %mul3A_37 = vector.broadcast %mul3A_36 : i32 to vector<128x128xi32>
      %mul3A_38 = arith.muli %iota3A_35, %mul3A_37 : vector<128x128xi32>
      %add3A_39 = arith.addi %scan3A_30#1, %mul3A_38 : vector<128x128xi32>
      %swap3A_40 = arith.constant 0 : index
      %swap3A_41 = arith.constant 0 : index
      %swap3A_42 = vector.load %arg4[%swap3A_40, %swap3A_41] : memref<128x128xi32, #tpu.memory_space<vmem>>, vector<128x128xi32>
      tpu.vector_store %arg4[%swap3A_40, %swap3A_41], %add3A_39 {strides = array<i32>} : memref<128x128xi32, #tpu.memory_space<vmem>>, vector<128x128xi32>,
    } else {
    }
    return
  }
  func.func @transform_0(%arg0: i32) -> (i32, i32, i32) {
    %c0_i32 = arith.constant 0 : i32
    %c0_i32_0 = arith.constant 0 : i32
    %c0_i32_1 = arith.constant 0 : i32
    return %arg0, %c0_i32, %c0_i32_0 : i32, i32, i32
  }
  func.func @transform_1(%arg0: i32) -> (i32, i32) {
    %c0_i32 = arith.constant 0 : i32
    %c0_i32_0 = arith.constant 0 : i32
    %c0_i32_1 = arith.constant 0 : i32
    return %c0_i32, %c0_i32_0 : i32, i32
  }
  func.func @transform_2(%arg0: i32) -> (i32, i32) {
    %c0_i32 = arith.constant 0 : i32
    %c0_i32_0 = arith.constant 0 : i32
    %c0_i32_1 = arith.constant 0 : i32
    return %c0_i32, %c0_i32_0 : i32, i32
  }
  func.func @transform_3(%arg0: i32) -> (i32, i32) {
    %c0_i32 = arith.constant 0 : i32
    %c0_i32_0 = arith.constant 0 : i32
    %c0_i32_1 = arith.constant 0 : i32
    return %c0_i32, %c0_i32_0 : i32, i32
  }
}

module attributes {stable_mosaic.version = 14 : i64} {
  func.func @_final_kernel(%arg0: memref<128x2048xf32, #tpu.memory_space<vmem>>, %arg1: memref<128x2048xi32, #tpu.memory_space<vmem>>, %arg2: memref<128x128xi32, #tpu.memory_space<vmem>>, %arg3: memref<128x32xf32, #tpu.memory_space<vmem>>, %arg4: memref<128x32xi32, #tpu.memory_space<vmem>>, %arg5: memref<128x128xi32, #tpu.memory_space<vmem>>, %arg6: memref<128x128xf32, #tpu.memory_space<vmem>>) attributes {dimension_semantics = [], scalar_prefetch = 0 : i64, scratch_operands = 0 : i64, tpu.core_type = #tpu.core_type<tc>} {
    %get3A = arith.constant 0 : index
    %get3A_0 = arith.constant 0 : index
    %get3A_1 = vector.load %arg0[%get3A, %get3A_0] : memref<128x2048xf32, #tpu.memory_space<vmem>>, vector<128x2048xf32>
    %get3A_2 = arith.constant 0 : index
    %get3A_3 = arith.constant 0 : index
    %get3A_4 = vector.load %arg3[%get3A_2, %get3A_3] : memref<128x32xf32, #tpu.memory_space<vmem>>, vector<128x32xf32>
    %concatenate3A = tpu.concatenate %get3A_1, %get3A_4 in 1 : vector<128x2048xf32>, vector<128x32xf32> -> vector<128x2080xf32>
    %get3A_5 = arith.constant 0 : index
    %get3A_6 = arith.constant 0 : index
    %get3A_7 = vector.load %arg1[%get3A_5, %get3A_6] : memref<128x2048xi32, #tpu.memory_space<vmem>>, vector<128x2048xi32>
    %get3A_8 = arith.constant 0 : index
    %get3A_9 = arith.constant 0 : index
    %get3A_10 = vector.load %arg4[%get3A_8, %get3A_9] : memref<128x32xi32, #tpu.memory_space<vmem>>, vector<128x32xi32>
    %concatenate3A_11 = tpu.concatenate %get3A_7, %get3A_10 in 1 : vector<128x2048xi32>, vector<128x32xi32> -> vector<128x2080xi32>
    %get3A_12 = arith.constant 0 : index
    %get3A_13 = arith.constant 0 : index
    %get3A_14 = vector.load %arg2[%get3A_12, %get3A_13] : memref<128x128xi32, #tpu.memory_space<vmem>>, vector<128x128xi32>
    %iota3A = tpu.iota {dimensions = array<i32: 2>} : vector<128x128x16xi32>
    %broadcast_in_dim3A = vector.shape_cast %get3A_14 : vector<128x128xi32> to vector<128x128x1xi32>
    %broadcast_in_dim3A_15 = vector.shape_cast %broadcast_in_dim3A : vector<128x128x1xi32> to vector<128x128x1xi32>
    %broadcast_in_dim3A_16 = vector.broadcast %broadcast_in_dim3A_15 : vector<128x128x1xi32> to vector<128x128x16xi32>
    %mul3A = arith.constant 16 : i32
    %mul3A_17 = vector.broadcast %mul3A : i32 to vector<128x128x16xi32>
    %mul3A_18 = arith.muli %broadcast_in_dim3A_16, %mul3A_17 : vector<128x128x16xi32>
    %add3A = arith.addi %mul3A_18, %iota3A : vector<128x128x16xi32>
    %reshape3A = vector.shape_cast %add3A : vector<128x128x16xi32> to vector<128x2048xi32>
    %iota3A_19 = tpu.iota {dimensions = array<i32: 1>} : vector<128x32xi32>
    %add3A_20 = arith.constant 99968 : i32
    %add3A_21 = vector.broadcast %add3A_20 : i32 to vector<128x32xi32>
    %add3A_22 = arith.addi %iota3A_19, %add3A_21 : vector<128x32xi32>
    %concatenate3A_23 = tpu.concatenate %reshape3A, %add3A_22 in 1 : vector<128x2048xi32>, vector<128x32xi32> -> vector<128x2080xi32>
    %iota3A_24 = tpu.iota {dimensions = array<i32: 1>} : vector<128x128xi32>
    %broadcast_in_dim3A_25 = arith.constant 0 : i32
    %broadcast_in_dim3A_26 = vector.broadcast %broadcast_in_dim3A_25 : i32 to vector<128x128xi32>
    %broadcast_in_dim3A_27 = arith.constant 0.000000e+00 : f32
    %broadcast_in_dim3A_28 = vector.broadcast %broadcast_in_dim3A_27 : f32 to vector<128x128xf32>
    %scan3A = arith.constant 1073741824 : i32
    %scan3A_29 = arith.constant 0 : i32
    %scan3A_30 = arith.constant 96 : i32
    %scan3A_31 = arith.addi %scan3A_29, %scan3A_30 : i32
    %scan3A_32 = arith.constant 8 : i32
    %scan3A_33:3 = scf.for %scan3A_163 = %scan3A_29 to %scan3A_31 step %scan3A_32 iter_args(%scan3A_164 = %concatenate3A, %scan3A_165 = %broadcast_in_dim3A_26, %scan3A_166 = %broadcast_in_dim3A_28) -> (vector<128x2080xf32>, vector<128x128xi32>, vector<128x128xf32>)  : i32 {
      %reduce_max3A_167 = arith.constant dense<0xFF800000> : vector<128xf32>
      %reduce_max3A_168 = vector.multi_reduction <maximumf>, %scan3A_164, %reduce_max3A_167 [1] : vector<128x2080xf32> to vector<128xf32>
      %broadcast_in_dim3A_169 = vector.shape_cast %reduce_max3A_168 : vector<128xf32> to vector<128x1xf32>
      %eq3A_170 = vector.broadcast %broadcast_in_dim3A_169 : vector<128x1xf32> to vector<128x2080xf32>
      %eq3A_171 = arith.cmpf oeq, %scan3A_164, %eq3A_170 : vector<128x2080xf32>
      %broadcast_in_dim3A_172 = vector.broadcast %scan3A : i32 to vector<128x2080xi32>
      %select_n3A_173 = arith.select %eq3A_171, %concatenate3A_23, %broadcast_in_dim3A_172 : vector<128x2080xi1>, vector<128x2080xi32>
      %reduce_min3A_174 = arith.constant dense<2147483647> : vector<128xi32>
      %reduce_min3A_175 = vector.multi_reduction <minsi>, %select_n3A_173, %reduce_min3A_174 [1] : vector<128x2080xi32> to vector<128xi32>
      %broadcast_in_dim3A_176 = vector.shape_cast %reduce_min3A_175 : vector<128xi32> to vector<128x1xi32>
      %eq3A_177 = vector.broadcast %broadcast_in_dim3A_176 : vector<128x1xi32> to vector<128x2080xi32>
      %eq3A_178 = arith.cmpi eq, %select_n3A_173, %eq3A_177 : vector<128x2080xi32>
      %broadcast_in_dim3A_179 = vector.broadcast %scan3A : i32 to vector<128x2080xi32>
      %select_n3A_180 = arith.select %eq3A_178, %concatenate3A_11, %broadcast_in_dim3A_179 : vector<128x2080xi1>, vector<128x2080xi32>
      %reduce_min3A_181 = arith.constant dense<2147483647> : vector<128xi32>
      %reduce_min3A_182 = vector.multi_reduction <minsi>, %select_n3A_180, %reduce_min3A_181 [1] : vector<128x2080xi32> to vector<128xi32>
      %broadcast_in_dim3A_183 = vector.shape_cast %reduce_min3A_182 : vector<128xi32> to vector<128x1xi32>
      %eq3A_184 = vector.broadcast %scan3A_163 : i32 to vector<128x128xi32>
      %eq3A_185 = arith.cmpi eq, %iota3A_24, %eq3A_184 : vector<128x128xi32>
      %broadcast_in_dim3A_186 = vector.shape_cast %broadcast_in_dim3A_183 : vector<128x1xi32> to vector<128x1xi32>
      %broadcast_in_dim3A_187 = vector.broadcast %broadcast_in_dim3A_186 : vector<128x1xi32> to vector<128x128xi32>
      %select_n3A_188 = arith.select %eq3A_185, %broadcast_in_dim3A_187, %scan3A_165 : vector<128x128xi1>, vector<128x128xi32>
      %eq3A_189 = vector.broadcast %scan3A_163 : i32 to vector<128x128xi32>
      %eq3A_190 = arith.cmpi eq, %iota3A_24, %eq3A_189 : vector<128x128xi32>
      %broadcast_in_dim3A_191 = vector.shape_cast %broadcast_in_dim3A_169 : vector<128x1xf32> to vector<128x1xf32>
      %broadcast_in_dim3A_192 = vector.broadcast %broadcast_in_dim3A_191 : vector<128x1xf32> to vector<128x128xf32>
      %select_n3A_193 = arith.select %eq3A_190, %broadcast_in_dim3A_192, %scan3A_166 : vector<128x128xi1>, vector<128x128xf32>
      %jit3A_194 = arith.constant 0xFF800000 : f32
      %broadcast_in_dim3A_195 = vector.broadcast %jit3A_194 : f32 to vector<128x2080xf32>
      %select_n3A_196 = arith.select %eq3A_178, %broadcast_in_dim3A_195, %scan3A_164 : vector<128x2080xi1>, vector<128x2080xf32>
      %scan3A_197 = arith.constant 1 : i32
      %scan3A_198 = arith.addi %scan3A_163, %scan3A_197 : i32
      %reduce_max3A_199 = arith.constant dense<0xFF800000> : vector<128xf32>
      %reduce_max3A_200 = vector.multi_reduction <maximumf>, %select_n3A_196, %reduce_max3A_199 [1] : vector<128x2080xf32> to vector<128xf32>
      %broadcast_in_dim3A_201 = vector.shape_cast %reduce_max3A_200 : vector<128xf32> to vector<128x1xf32>
      %eq3A_202 = vector.broadcast %broadcast_in_dim3A_201 : vector<128x1xf32> to vector<128x2080xf32>
      %eq3A_203 = arith.cmpf oeq, %select_n3A_196, %eq3A_202 : vector<128x2080xf32>
      %broadcast_in_dim3A_204 = vector.broadcast %scan3A : i32 to vector<128x2080xi32>
      %select_n3A_205 = arith.select %eq3A_203, %concatenate3A_23, %broadcast_in_dim3A_204 : vector<128x2080xi1>, vector<128x2080xi32>
      %reduce_min3A_206 = arith.constant dense<2147483647> : vector<128xi32>
      %reduce_min3A_207 = vector.multi_reduction <minsi>, %select_n3A_205, %reduce_min3A_206 [1] : vector<128x2080xi32> to vector<128xi32>
      %broadcast_in_dim3A_208 = vector.shape_cast %reduce_min3A_207 : vector<128xi32> to vector<128x1xi32>
      %eq3A_209 = vector.broadcast %broadcast_in_dim3A_208 : vector<128x1xi32> to vector<128x2080xi32>
      %eq3A_210 = arith.cmpi eq, %select_n3A_205, %eq3A_209 : vector<128x2080xi32>
      %broadcast_in_dim3A_211 = vector.broadcast %scan3A : i32 to vector<128x2080xi32>
      %select_n3A_212 = arith.select %eq3A_210, %concatenate3A_11, %broadcast_in_dim3A_211 : vector<128x2080xi1>, vector<128x2080xi32>
      %reduce_min3A_213 = arith.constant dense<2147483647> : vector<128xi32>
      %reduce_min3A_214 = vector.multi_reduction <minsi>, %select_n3A_212, %reduce_min3A_213 [1] : vector<128x2080xi32> to vector<128xi32>
      %broadcast_in_dim3A_215 = vector.shape_cast %reduce_min3A_214 : vector<128xi32> to vector<128x1xi32>
      %eq3A_216 = vector.broadcast %scan3A_198 : i32 to vector<128x128xi32>
      %eq3A_217 = arith.cmpi eq, %iota3A_24, %eq3A_216 : vector<128x128xi32>
      %broadcast_in_dim3A_218 = vector.shape_cast %broadcast_in_dim3A_215 : vector<128x1xi32> to vector<128x1xi32>
      %broadcast_in_dim3A_219 = vector.broadcast %broadcast_in_dim3A_218 : vector<128x1xi32> to vector<128x128xi32>
      %select_n3A_220 = arith.select %eq3A_217, %broadcast_in_dim3A_219, %select_n3A_188 : vector<128x128xi1>, vector<128x128xi32>
      %eq3A_221 = vector.broadcast %scan3A_198 : i32 to vector<128x128xi32>
      %eq3A_222 = arith.cmpi eq, %iota3A_24, %eq3A_221 : vector<128x128xi32>
      %broadcast_in_dim3A_223 = vector.shape_cast %broadcast_in_dim3A_201 : vector<128x1xf32> to vector<128x1xf32>
      %broadcast_in_dim3A_224 = vector.broadcast %broadcast_in_dim3A_223 : vector<128x1xf32> to vector<128x128xf32>
      %select_n3A_225 = arith.select %eq3A_222, %broadcast_in_dim3A_224, %select_n3A_193 : vector<128x128xi1>, vector<128x128xf32>
      %jit3A_226 = arith.constant 0xFF800000 : f32
      %broadcast_in_dim3A_227 = vector.broadcast %jit3A_226 : f32 to vector<128x2080xf32>
      %select_n3A_228 = arith.select %eq3A_210, %broadcast_in_dim3A_227, %select_n3A_196 : vector<128x2080xi1>, vector<128x2080xf32>
      %scan3A_229 = arith.constant 2 : i32
      %scan3A_230 = arith.addi %scan3A_163, %scan3A_229 : i32
      %reduce_max3A_231 = arith.constant dense<0xFF800000> : vector<128xf32>
      %reduce_max3A_232 = vector.multi_reduction <maximumf>, %select_n3A_228, %reduce_max3A_231 [1] : vector<128x2080xf32> to vector<128xf32>
      %broadcast_in_dim3A_233 = vector.shape_cast %reduce_max3A_232 : vector<128xf32> to vector<128x1xf32>
      %eq3A_234 = vector.broadcast %broadcast_in_dim3A_233 : vector<128x1xf32> to vector<128x2080xf32>
      %eq3A_235 = arith.cmpf oeq, %select_n3A_228, %eq3A_234 : vector<128x2080xf32>
      %broadcast_in_dim3A_236 = vector.broadcast %scan3A : i32 to vector<128x2080xi32>
      %select_n3A_237 = arith.select %eq3A_235, %concatenate3A_23, %broadcast_in_dim3A_236 : vector<128x2080xi1>, vector<128x2080xi32>
      %reduce_min3A_238 = arith.constant dense<2147483647> : vector<128xi32>
      %reduce_min3A_239 = vector.multi_reduction <minsi>, %select_n3A_237, %reduce_min3A_238 [1] : vector<128x2080xi32> to vector<128xi32>
      %broadcast_in_dim3A_240 = vector.shape_cast %reduce_min3A_239 : vector<128xi32> to vector<128x1xi32>
      %eq3A_241 = vector.broadcast %broadcast_in_dim3A_240 : vector<128x1xi32> to vector<128x2080xi32>
      %eq3A_242 = arith.cmpi eq, %select_n3A_237, %eq3A_241 : vector<128x2080xi32>
      %broadcast_in_dim3A_243 = vector.broadcast %scan3A : i32 to vector<128x2080xi32>
      %select_n3A_244 = arith.select %eq3A_242, %concatenate3A_11, %broadcast_in_dim3A_243 : vector<128x2080xi1>, vector<128x2080xi32>
      %reduce_min3A_245 = arith.constant dense<2147483647> : vector<128xi32>
      %reduce_min3A_246 = vector.multi_reduction <minsi>, %select_n3A_244, %reduce_min3A_245 [1] : vector<128x2080xi32> to vector<128xi32>
      %broadcast_in_dim3A_247 = vector.shape_cast %reduce_min3A_246 : vector<128xi32> to vector<128x1xi32>
      %eq3A_248 = vector.broadcast %scan3A_230 : i32 to vector<128x128xi32>
      %eq3A_249 = arith.cmpi eq, %iota3A_24, %eq3A_248 : vector<128x128xi32>
      %broadcast_in_dim3A_250 = vector.shape_cast %broadcast_in_dim3A_247 : vector<128x1xi32> to vector<128x1xi32>
      %broadcast_in_dim3A_251 = vector.broadcast %broadcast_in_dim3A_250 : vector<128x1xi32> to vector<128x128xi32>
      %select_n3A_252 = arith.select %eq3A_249, %broadcast_in_dim3A_251, %select_n3A_220 : vector<128x128xi1>, vector<128x128xi32>
      %eq3A_253 = vector.broadcast %scan3A_230 : i32 to vector<128x128xi32>
      %eq3A_254 = arith.cmpi eq, %iota3A_24, %eq3A_253 : vector<128x128xi32>
      %broadcast_in_dim3A_255 = vector.shape_cast %broadcast_in_dim3A_233 : vector<128x1xf32> to vector<128x1xf32>
      %broadcast_in_dim3A_256 = vector.broadcast %broadcast_in_dim3A_255 : vector<128x1xf32> to vector<128x128xf32>
      %select_n3A_257 = arith.select %eq3A_254, %broadcast_in_dim3A_256, %select_n3A_225 : vector<128x128xi1>, vector<128x128xf32>
      %jit3A_258 = arith.constant 0xFF800000 : f32
      %broadcast_in_dim3A_259 = vector.broadcast %jit3A_258 : f32 to vector<128x2080xf32>
      %select_n3A_260 = arith.select %eq3A_242, %broadcast_in_dim3A_259, %select_n3A_228 : vector<128x2080xi1>, vector<128x2080xf32>
      %scan3A_261 = arith.constant 3 : i32
      %scan3A_262 = arith.addi %scan3A_163, %scan3A_261 : i32
      %reduce_max3A_263 = arith.constant dense<0xFF800000> : vector<128xf32>
      %reduce_max3A_264 = vector.multi_reduction <maximumf>, %select_n3A_260, %reduce_max3A_263 [1] : vector<128x2080xf32> to vector<128xf32>
      %broadcast_in_dim3A_265 = vector.shape_cast %reduce_max3A_264 : vector<128xf32> to vector<128x1xf32>
      %eq3A_266 = vector.broadcast %broadcast_in_dim3A_265 : vector<128x1xf32> to vector<128x2080xf32>
      %eq3A_267 = arith.cmpf oeq, %select_n3A_260, %eq3A_266 : vector<128x2080xf32>
      %broadcast_in_dim3A_268 = vector.broadcast %scan3A : i32 to vector<128x2080xi32>
      %select_n3A_269 = arith.select %eq3A_267, %concatenate3A_23, %broadcast_in_dim3A_268 : vector<128x2080xi1>, vector<128x2080xi32>
      %reduce_min3A_270 = arith.constant dense<2147483647> : vector<128xi32>
      %reduce_min3A_271 = vector.multi_reduction <minsi>, %select_n3A_269, %reduce_min3A_270 [1] : vector<128x2080xi32> to vector<128xi32>
      %broadcast_in_dim3A_272 = vector.shape_cast %reduce_min3A_271 : vector<128xi32> to vector<128x1xi32>
      %eq3A_273 = vector.broadcast %broadcast_in_dim3A_272 : vector<128x1xi32> to vector<128x2080xi32>
      %eq3A_274 = arith.cmpi eq, %select_n3A_269, %eq3A_273 : vector<128x2080xi32>
      %broadcast_in_dim3A_275 = vector.broadcast %scan3A : i32 to vector<128x2080xi32>
      %select_n3A_276 = arith.select %eq3A_274, %concatenate3A_11, %broadcast_in_dim3A_275 : vector<128x2080xi1>, vector<128x2080xi32>
      %reduce_min3A_277 = arith.constant dense<2147483647> : vector<128xi32>
      %reduce_min3A_278 = vector.multi_reduction <minsi>, %select_n3A_276, %reduce_min3A_277 [1] : vector<128x2080xi32> to vector<128xi32>
      %broadcast_in_dim3A_279 = vector.shape_cast %reduce_min3A_278 : vector<128xi32> to vector<128x1xi32>
      %eq3A_280 = vector.broadcast %scan3A_262 : i32 to vector<128x128xi32>
      %eq3A_281 = arith.cmpi eq, %iota3A_24, %eq3A_280 : vector<128x128xi32>
      %broadcast_in_dim3A_282 = vector.shape_cast %broadcast_in_dim3A_279 : vector<128x1xi32> to vector<128x1xi32>
      %broadcast_in_dim3A_283 = vector.broadcast %broadcast_in_dim3A_282 : vector<128x1xi32> to vector<128x128xi32>
      %select_n3A_284 = arith.select %eq3A_281, %broadcast_in_dim3A_283, %select_n3A_252 : vector<128x128xi1>, vector<128x128xi32>
      %eq3A_285 = vector.broadcast %scan3A_262 : i32 to vector<128x128xi32>
      %eq3A_286 = arith.cmpi eq, %iota3A_24, %eq3A_285 : vector<128x128xi32>
      %broadcast_in_dim3A_287 = vector.shape_cast %broadcast_in_dim3A_265 : vector<128x1xf32> to vector<128x1xf32>
      %broadcast_in_dim3A_288 = vector.broadcast %broadcast_in_dim3A_287 : vector<128x1xf32> to vector<128x128xf32>
      %select_n3A_289 = arith.select %eq3A_286, %broadcast_in_dim3A_288, %select_n3A_257 : vector<128x128xi1>, vector<128x128xf32>
      %jit3A_290 = arith.constant 0xFF800000 : f32
      %broadcast_in_dim3A_291 = vector.broadcast %jit3A_290 : f32 to vector<128x2080xf32>
      %select_n3A_292 = arith.select %eq3A_274, %broadcast_in_dim3A_291, %select_n3A_260 : vector<128x2080xi1>, vector<128x2080xf32>
      %scan3A_293 = arith.constant 4 : i32
      %scan3A_294 = arith.addi %scan3A_163, %scan3A_293 : i32
      %reduce_max3A_295 = arith.constant dense<0xFF800000> : vector<128xf32>
      %reduce_max3A_296 = vector.multi_reduction <maximumf>, %select_n3A_292, %reduce_max3A_295 [1] : vector<128x2080xf32> to vector<128xf32>
      %broadcast_in_dim3A_297 = vector.shape_cast %reduce_max3A_296 : vector<128xf32> to vector<128x1xf32>
      %eq3A_298 = vector.broadcast %broadcast_in_dim3A_297 : vector<128x1xf32> to vector<128x2080xf32>
      %eq3A_299 = arith.cmpf oeq, %select_n3A_292, %eq3A_298 : vector<128x2080xf32>
      %broadcast_in_dim3A_300 = vector.broadcast %scan3A : i32 to vector<128x2080xi32>
      %select_n3A_301 = arith.select %eq3A_299, %concatenate3A_23, %broadcast_in_dim3A_300 : vector<128x2080xi1>, vector<128x2080xi32>
      %reduce_min3A_302 = arith.constant dense<2147483647> : vector<128xi32>
      %reduce_min3A_303 = vector.multi_reduction <minsi>, %select_n3A_301, %reduce_min3A_302 [1] : vector<128x2080xi32> to vector<128xi32>
      %broadcast_in_dim3A_304 = vector.shape_cast %reduce_min3A_303 : vector<128xi32> to vector<128x1xi32>
      %eq3A_305 = vector.broadcast %broadcast_in_dim3A_304 : vector<128x1xi32> to vector<128x2080xi32>
      %eq3A_306 = arith.cmpi eq, %select_n3A_301, %eq3A_305 : vector<128x2080xi32>
      %broadcast_in_dim3A_307 = vector.broadcast %scan3A : i32 to vector<128x2080xi32>
      %select_n3A_308 = arith.select %eq3A_306, %concatenate3A_11, %broadcast_in_dim3A_307 : vector<128x2080xi1>, vector<128x2080xi32>
      %reduce_min3A_309 = arith.constant dense<2147483647> : vector<128xi32>
      %reduce_min3A_310 = vector.multi_reduction <minsi>, %select_n3A_308, %reduce_min3A_309 [1] : vector<128x2080xi32> to vector<128xi32>
      %broadcast_in_dim3A_311 = vector.shape_cast %reduce_min3A_310 : vector<128xi32> to vector<128x1xi32>
      %eq3A_312 = vector.broadcast %scan3A_294 : i32 to vector<128x128xi32>
      %eq3A_313 = arith.cmpi eq, %iota3A_24, %eq3A_312 : vector<128x128xi32>
      %broadcast_in_dim3A_314 = vector.shape_cast %broadcast_in_dim3A_311 : vector<128x1xi32> to vector<128x1xi32>
      %broadcast_in_dim3A_315 = vector.broadcast %broadcast_in_dim3A_314 : vector<128x1xi32> to vector<128x128xi32>
      %select_n3A_316 = arith.select %eq3A_313, %broadcast_in_dim3A_315, %select_n3A_284 : vector<128x128xi1>, vector<128x128xi32>
      %eq3A_317 = vector.broadcast %scan3A_294 : i32 to vector<128x128xi32>
      %eq3A_318 = arith.cmpi eq, %iota3A_24, %eq3A_317 : vector<128x128xi32>
      %broadcast_in_dim3A_319 = vector.shape_cast %broadcast_in_dim3A_297 : vector<128x1xf32> to vector<128x1xf32>
      %broadcast_in_dim3A_320 = vector.broadcast %broadcast_in_dim3A_319 : vector<128x1xf32> to vector<128x128xf32>
      %select_n3A_321 = arith.select %eq3A_318, %broadcast_in_dim3A_320, %select_n3A_289 : vector<128x128xi1>, vector<128x128xf32>
      %jit3A_322 = arith.constant 0xFF800000 : f32
      %broadcast_in_dim3A_323 = vector.broadcast %jit3A_322 : f32 to vector<128x2080xf32>
      %select_n3A_324 = arith.select %eq3A_306, %broadcast_in_dim3A_323, %select_n3A_292 : vector<128x2080xi1>, vector<128x2080xf32>
      %scan3A_325 = arith.constant 5 : i32
      %scan3A_326 = arith.addi %scan3A_163, %scan3A_325 : i32
      %reduce_max3A_327 = arith.constant dense<0xFF800000> : vector<128xf32>
      %reduce_max3A_328 = vector.multi_reduction <maximumf>, %select_n3A_324, %reduce_max3A_327 [1] : vector<128x2080xf32> to vector<128xf32>
      %broadcast_in_dim3A_329 = vector.shape_cast %reduce_max3A_328 : vector<128xf32> to vector<128x1xf32>
      %eq3A_330 = vector.broadcast %broadcast_in_dim3A_329 : vector<128x1xf32> to vector<128x2080xf32>
      %eq3A_331 = arith.cmpf oeq, %select_n3A_324, %eq3A_330 : vector<128x2080xf32>
      %broadcast_in_dim3A_332 = vector.broadcast %scan3A : i32 to vector<128x2080xi32>
      %select_n3A_333 = arith.select %eq3A_331, %concatenate3A_23, %broadcast_in_dim3A_332 : vector<128x2080xi1>, vector<128x2080xi32>
      %reduce_min3A_334 = arith.constant dense<2147483647> : vector<128xi32>
      %reduce_min3A_335 = vector.multi_reduction <minsi>, %select_n3A_333, %reduce_min3A_334 [1] : vector<128x2080xi32> to vector<128xi32>
      %broadcast_in_dim3A_336 = vector.shape_cast %reduce_min3A_335 : vector<128xi32> to vector<128x1xi32>
      %eq3A_337 = vector.broadcast %broadcast_in_dim3A_336 : vector<128x1xi32> to vector<128x2080xi32>
      %eq3A_338 = arith.cmpi eq, %select_n3A_333, %eq3A_337 : vector<128x2080xi32>
      %broadcast_in_dim3A_339 = vector.broadcast %scan3A : i32 to vector<128x2080xi32>
      %select_n3A_340 = arith.select %eq3A_338, %concatenate3A_11, %broadcast_in_dim3A_339 : vector<128x2080xi1>, vector<128x2080xi32>
      %reduce_min3A_341 = arith.constant dense<2147483647> : vector<128xi32>
      %reduce_min3A_342 = vector.multi_reduction <minsi>, %select_n3A_340, %reduce_min3A_341 [1] : vector<128x2080xi32> to vector<128xi32>
      %broadcast_in_dim3A_343 = vector.shape_cast %reduce_min3A_342 : vector<128xi32> to vector<128x1xi32>
      %eq3A_344 = vector.broadcast %scan3A_326 : i32 to vector<128x128xi32>
      %eq3A_345 = arith.cmpi eq, %iota3A_24, %eq3A_344 : vector<128x128xi32>
      %broadcast_in_dim3A_346 = vector.shape_cast %broadcast_in_dim3A_343 : vector<128x1xi32> to vector<128x1xi32>
      %broadcast_in_dim3A_347 = vector.broadcast %broadcast_in_dim3A_346 : vector<128x1xi32> to vector<128x128xi32>
      %select_n3A_348 = arith.select %eq3A_345, %broadcast_in_dim3A_347, %select_n3A_316 : vector<128x128xi1>, vector<128x128xi32>
      %eq3A_349 = vector.broadcast %scan3A_326 : i32 to vector<128x128xi32>
      %eq3A_350 = arith.cmpi eq, %iota3A_24, %eq3A_349 : vector<128x128xi32>
      %broadcast_in_dim3A_351 = vector.shape_cast %broadcast_in_dim3A_329 : vector<128x1xf32> to vector<128x1xf32>
      %broadcast_in_dim3A_352 = vector.broadcast %broadcast_in_dim3A_351 : vector<128x1xf32> to vector<128x128xf32>
      %select_n3A_353 = arith.select %eq3A_350, %broadcast_in_dim3A_352, %select_n3A_321 : vector<128x128xi1>, vector<128x128xf32>
      %jit3A_354 = arith.constant 0xFF800000 : f32
      %broadcast_in_dim3A_355 = vector.broadcast %jit3A_354 : f32 to vector<128x2080xf32>
      %select_n3A_356 = arith.select %eq3A_338, %broadcast_in_dim3A_355, %select_n3A_324 : vector<128x2080xi1>, vector<128x2080xf32>
      %scan3A_357 = arith.constant 6 : i32
      %scan3A_358 = arith.addi %scan3A_163, %scan3A_357 : i32
      %reduce_max3A_359 = arith.constant dense<0xFF800000> : vector<128xf32>
      %reduce_max3A_360 = vector.multi_reduction <maximumf>, %select_n3A_356, %reduce_max3A_359 [1] : vector<128x2080xf32> to vector<128xf32>
      %broadcast_in_dim3A_361 = vector.shape_cast %reduce_max3A_360 : vector<128xf32> to vector<128x1xf32>
      %eq3A_362 = vector.broadcast %broadcast_in_dim3A_361 : vector<128x1xf32> to vector<128x2080xf32>
      %eq3A_363 = arith.cmpf oeq, %select_n3A_356, %eq3A_362 : vector<128x2080xf32>
      %broadcast_in_dim3A_364 = vector.broadcast %scan3A : i32 to vector<128x2080xi32>
      %select_n3A_365 = arith.select %eq3A_363, %concatenate3A_23, %broadcast_in_dim3A_364 : vector<128x2080xi1>, vector<128x2080xi32>
      %reduce_min3A_366 = arith.constant dense<2147483647> : vector<128xi32>
      %reduce_min3A_367 = vector.multi_reduction <minsi>, %select_n3A_365, %reduce_min3A_366 [1] : vector<128x2080xi32> to vector<128xi32>
      %broadcast_in_dim3A_368 = vector.shape_cast %reduce_min3A_367 : vector<128xi32> to vector<128x1xi32>
      %eq3A_369 = vector.broadcast %broadcast_in_dim3A_368 : vector<128x1xi32> to vector<128x2080xi32>
      %eq3A_370 = arith.cmpi eq, %select_n3A_365, %eq3A_369 : vector<128x2080xi32>
      %broadcast_in_dim3A_371 = vector.broadcast %scan3A : i32 to vector<128x2080xi32>
      %select_n3A_372 = arith.select %eq3A_370, %concatenate3A_11, %broadcast_in_dim3A_371 : vector<128x2080xi1>, vector<128x2080xi32>
      %reduce_min3A_373 = arith.constant dense<2147483647> : vector<128xi32>
      %reduce_min3A_374 = vector.multi_reduction <minsi>, %select_n3A_372, %reduce_min3A_373 [1] : vector<128x2080xi32> to vector<128xi32>
      %broadcast_in_dim3A_375 = vector.shape_cast %reduce_min3A_374 : vector<128xi32> to vector<128x1xi32>
      %eq3A_376 = vector.broadcast %scan3A_358 : i32 to vector<128x128xi32>
      %eq3A_377 = arith.cmpi eq, %iota3A_24, %eq3A_376 : vector<128x128xi32>
      %broadcast_in_dim3A_378 = vector.shape_cast %broadcast_in_dim3A_375 : vector<128x1xi32> to vector<128x1xi32>
      %broadcast_in_dim3A_379 = vector.broadcast %broadcast_in_dim3A_378 : vector<128x1xi32> to vector<128x128xi32>
      %select_n3A_380 = arith.select %eq3A_377, %broadcast_in_dim3A_379, %select_n3A_348 : vector<128x128xi1>, vector<128x128xi32>
      %eq3A_381 = vector.broadcast %scan3A_358 : i32 to vector<128x128xi32>
      %eq3A_382 = arith.cmpi eq, %iota3A_24, %eq3A_381 : vector<128x128xi32>
      %broadcast_in_dim3A_383 = vector.shape_cast %broadcast_in_dim3A_361 : vector<128x1xf32> to vector<128x1xf32>
      %broadcast_in_dim3A_384 = vector.broadcast %broadcast_in_dim3A_383 : vector<128x1xf32> to vector<128x128xf32>
      %select_n3A_385 = arith.select %eq3A_382, %broadcast_in_dim3A_384, %select_n3A_353 : vector<128x128xi1>, vector<128x128xf32>
      %jit3A_386 = arith.constant 0xFF800000 : f32
      %broadcast_in_dim3A_387 = vector.broadcast %jit3A_386 : f32 to vector<128x2080xf32>
      %select_n3A_388 = arith.select %eq3A_370, %broadcast_in_dim3A_387, %select_n3A_356 : vector<128x2080xi1>, vector<128x2080xf32>
      %scan3A_389 = arith.constant 7 : i32
      %scan3A_390 = arith.addi %scan3A_163, %scan3A_389 : i32
      %reduce_max3A_391 = arith.constant dense<0xFF800000> : vector<128xf32>
      %reduce_max3A_392 = vector.multi_reduction <maximumf>, %select_n3A_388, %reduce_max3A_391 [1] : vector<128x2080xf32> to vector<128xf32>
      %broadcast_in_dim3A_393 = vector.shape_cast %reduce_max3A_392 : vector<128xf32> to vector<128x1xf32>
      %eq3A_394 = vector.broadcast %broadcast_in_dim3A_393 : vector<128x1xf32> to vector<128x2080xf32>
      %eq3A_395 = arith.cmpf oeq, %select_n3A_388, %eq3A_394 : vector<128x2080xf32>
      %broadcast_in_dim3A_396 = vector.broadcast %scan3A : i32 to vector<128x2080xi32>
      %select_n3A_397 = arith.select %eq3A_395, %concatenate3A_23, %broadcast_in_dim3A_396 : vector<128x2080xi1>, vector<128x2080xi32>
      %reduce_min3A_398 = arith.constant dense<2147483647> : vector<128xi32>
      %reduce_min3A_399 = vector.multi_reduction <minsi>, %select_n3A_397, %reduce_min3A_398 [1] : vector<128x2080xi32> to vector<128xi32>
      %broadcast_in_dim3A_400 = vector.shape_cast %reduce_min3A_399 : vector<128xi32> to vector<128x1xi32>
      %eq3A_401 = vector.broadcast %broadcast_in_dim3A_400 : vector<128x1xi32> to vector<128x2080xi32>
      %eq3A_402 = arith.cmpi eq, %select_n3A_397, %eq3A_401 : vector<128x2080xi32>
      %broadcast_in_dim3A_403 = vector.broadcast %scan3A : i32 to vector<128x2080xi32>
      %select_n3A_404 = arith.select %eq3A_402, %concatenate3A_11, %broadcast_in_dim3A_403 : vector<128x2080xi1>, vector<128x2080xi32>
      %reduce_min3A_405 = arith.constant dense<2147483647> : vector<128xi32>
      %reduce_min3A_406 = vector.multi_reduction <minsi>, %select_n3A_404, %reduce_min3A_405 [1] : vector<128x2080xi32> to vector<128xi32>
      %broadcast_in_dim3A_407 = vector.shape_cast %reduce_min3A_406 : vector<128xi32> to vector<128x1xi32>
      %eq3A_408 = vector.broadcast %scan3A_390 : i32 to vector<128x128xi32>
      %eq3A_409 = arith.cmpi eq, %iota3A_24, %eq3A_408 : vector<128x128xi32>
      %broadcast_in_dim3A_410 = vector.shape_cast %broadcast_in_dim3A_407 : vector<128x1xi32> to vector<128x1xi32>
      %broadcast_in_dim3A_411 = vector.broadcast %broadcast_in_dim3A_410 : vector<128x1xi32> to vector<128x128xi32>
      %select_n3A_412 = arith.select %eq3A_409, %broadcast_in_dim3A_411, %select_n3A_380 : vector<128x128xi1>, vector<128x128xi32>
      %eq3A_413 = vector.broadcast %scan3A_390 : i32 to vector<128x128xi32>
      %eq3A_414 = arith.cmpi eq, %iota3A_24, %eq3A_413 : vector<128x128xi32>
      %broadcast_in_dim3A_415 = vector.shape_cast %broadcast_in_dim3A_393 : vector<128x1xf32> to vector<128x1xf32>
      %broadcast_in_dim3A_416 = vector.broadcast %broadcast_in_dim3A_415 : vector<128x1xf32> to vector<128x128xf32>
      %select_n3A_417 = arith.select %eq3A_414, %broadcast_in_dim3A_416, %select_n3A_385 : vector<128x128xi1>, vector<128x128xf32>
      %jit3A_418 = arith.constant 0xFF800000 : f32
      %broadcast_in_dim3A_419 = vector.broadcast %jit3A_418 : f32 to vector<128x2080xf32>
      %select_n3A_420 = arith.select %eq3A_402, %broadcast_in_dim3A_419, %select_n3A_388 : vector<128x2080xi1>, vector<128x2080xf32>
      scf.yield %select_n3A_420, %select_n3A_412, %select_n3A_417 : vector<128x2080xf32>, vector<128x128xi32>, vector<128x128xf32>
    }
    %scan3A_34 = arith.constant 96 : i32
    %scan3A_35 = arith.addi %scan3A_29, %scan3A_34 : i32
    %reduce_max3A = arith.constant dense<0xFF800000> : vector<128xf32>
    %reduce_max3A_36 = vector.multi_reduction <maximumf>, %scan3A_33#0, %reduce_max3A [1] : vector<128x2080xf32> to vector<128xf32>
    %broadcast_in_dim3A_37 = vector.shape_cast %reduce_max3A_36 : vector<128xf32> to vector<128x1xf32>
    %eq3A = vector.broadcast %broadcast_in_dim3A_37 : vector<128x1xf32> to vector<128x2080xf32>
    %eq3A_38 = arith.cmpf oeq, %scan3A_33#0, %eq3A : vector<128x2080xf32>
    %broadcast_in_dim3A_39 = vector.broadcast %scan3A : i32 to vector<128x2080xi32>
    %select_n3A = arith.select %eq3A_38, %concatenate3A_23, %broadcast_in_dim3A_39 : vector<128x2080xi1>, vector<128x2080xi32>
    %reduce_min3A = arith.constant dense<2147483647> : vector<128xi32>
    %reduce_min3A_40 = vector.multi_reduction <minsi>, %select_n3A, %reduce_min3A [1] : vector<128x2080xi32> to vector<128xi32>
    %broadcast_in_dim3A_41 = vector.shape_cast %reduce_min3A_40 : vector<128xi32> to vector<128x1xi32>
    %eq3A_42 = vector.broadcast %broadcast_in_dim3A_41 : vector<128x1xi32> to vector<128x2080xi32>
    %eq3A_43 = arith.cmpi eq, %select_n3A, %eq3A_42 : vector<128x2080xi32>
    %broadcast_in_dim3A_44 = vector.broadcast %scan3A : i32 to vector<128x2080xi32>
    %select_n3A_45 = arith.select %eq3A_43, %concatenate3A_11, %broadcast_in_dim3A_44 : vector<128x2080xi1>, vector<128x2080xi32>
    %reduce_min3A_46 = arith.constant dense<2147483647> : vector<128xi32>
    %reduce_min3A_47 = vector.multi_reduction <minsi>, %select_n3A_45, %reduce_min3A_46 [1] : vector<128x2080xi32> to vector<128xi32>
    %broadcast_in_dim3A_48 = vector.shape_cast %reduce_min3A_47 : vector<128xi32> to vector<128x1xi32>
    %eq3A_49 = vector.broadcast %scan3A_35 : i32 to vector<128x128xi32>
    %eq3A_50 = arith.cmpi eq, %iota3A_24, %eq3A_49 : vector<128x128xi32>
    %broadcast_in_dim3A_51 = vector.shape_cast %broadcast_in_dim3A_48 : vector<128x1xi32> to vector<128x1xi32>
    %broadcast_in_dim3A_52 = vector.broadcast %broadcast_in_dim3A_51 : vector<128x1xi32> to vector<128x128xi32>
    %select_n3A_53 = arith.select %eq3A_50, %broadcast_in_dim3A_52, %scan3A_33#1 : vector<128x128xi1>, vector<128x128xi32>
    %eq3A_54 = vector.broadcast %scan3A_35 : i32 to vector<128x128xi32>
    %eq3A_55 = arith.cmpi eq, %iota3A_24, %eq3A_54 : vector<128x128xi32>
    %broadcast_in_dim3A_56 = vector.shape_cast %broadcast_in_dim3A_37 : vector<128x1xf32> to vector<128x1xf32>
    %broadcast_in_dim3A_57 = vector.broadcast %broadcast_in_dim3A_56 : vector<128x1xf32> to vector<128x128xf32>
    %select_n3A_58 = arith.select %eq3A_55, %broadcast_in_dim3A_57, %scan3A_33#2 : vector<128x128xi1>, vector<128x128xf32>
    %jit3A = arith.constant 0xFF800000 : f32
    %broadcast_in_dim3A_59 = vector.broadcast %jit3A : f32 to vector<128x2080xf32>
    %select_n3A_60 = arith.select %eq3A_43, %broadcast_in_dim3A_59, %scan3A_33#0 : vector<128x2080xi1>, vector<128x2080xf32>
    %scan3A_61 = arith.constant 97 : i32
    %scan3A_62 = arith.addi %scan3A_29, %scan3A_61 : i32
    %reduce_max3A_63 = arith.constant dense<0xFF800000> : vector<128xf32>
    %reduce_max3A_64 = vector.multi_reduction <maximumf>, %select_n3A_60, %reduce_max3A_63 [1] : vector<128x2080xf32> to vector<128xf32>
    %broadcast_in_dim3A_65 = vector.shape_cast %reduce_max3A_64 : vector<128xf32> to vector<128x1xf32>
    %eq3A_66 = vector.broadcast %broadcast_in_dim3A_65 : vector<128x1xf32> to vector<128x2080xf32>
    %eq3A_67 = arith.cmpf oeq, %select_n3A_60, %eq3A_66 : vector<128x2080xf32>
    %broadcast_in_dim3A_68 = vector.broadcast %scan3A : i32 to vector<128x2080xi32>
    %select_n3A_69 = arith.select %eq3A_67, %concatenate3A_23, %broadcast_in_dim3A_68 : vector<128x2080xi1>, vector<128x2080xi32>
    %reduce_min3A_70 = arith.constant dense<2147483647> : vector<128xi32>
    %reduce_min3A_71 = vector.multi_reduction <minsi>, %select_n3A_69, %reduce_min3A_70 [1] : vector<128x2080xi32> to vector<128xi32>
    %broadcast_in_dim3A_72 = vector.shape_cast %reduce_min3A_71 : vector<128xi32> to vector<128x1xi32>
    %eq3A_73 = vector.broadcast %broadcast_in_dim3A_72 : vector<128x1xi32> to vector<128x2080xi32>
    %eq3A_74 = arith.cmpi eq, %select_n3A_69, %eq3A_73 : vector<128x2080xi32>
    %broadcast_in_dim3A_75 = vector.broadcast %scan3A : i32 to vector<128x2080xi32>
    %select_n3A_76 = arith.select %eq3A_74, %concatenate3A_11, %broadcast_in_dim3A_75 : vector<128x2080xi1>, vector<128x2080xi32>
    %reduce_min3A_77 = arith.constant dense<2147483647> : vector<128xi32>
    %reduce_min3A_78 = vector.multi_reduction <minsi>, %select_n3A_76, %reduce_min3A_77 [1] : vector<128x2080xi32> to vector<128xi32>
    %broadcast_in_dim3A_79 = vector.shape_cast %reduce_min3A_78 : vector<128xi32> to vector<128x1xi32>
    %eq3A_80 = vector.broadcast %scan3A_62 : i32 to vector<128x128xi32>
    %eq3A_81 = arith.cmpi eq, %iota3A_24, %eq3A_80 : vector<128x128xi32>
    %broadcast_in_dim3A_82 = vector.shape_cast %broadcast_in_dim3A_79 : vector<128x1xi32> to vector<128x1xi32>
    %broadcast_in_dim3A_83 = vector.broadcast %broadcast_in_dim3A_82 : vector<128x1xi32> to vector<128x128xi32>
    %select_n3A_84 = arith.select %eq3A_81, %broadcast_in_dim3A_83, %select_n3A_53 : vector<128x128xi1>, vector<128x128xi32>
    %eq3A_85 = vector.broadcast %scan3A_62 : i32 to vector<128x128xi32>
    %eq3A_86 = arith.cmpi eq, %iota3A_24, %eq3A_85 : vector<128x128xi32>
    %broadcast_in_dim3A_87 = vector.shape_cast %broadcast_in_dim3A_65 : vector<128x1xf32> to vector<128x1xf32>
    %broadcast_in_dim3A_88 = vector.broadcast %broadcast_in_dim3A_87 : vector<128x1xf32> to vector<128x128xf32>
    %select_n3A_89 = arith.select %eq3A_86, %broadcast_in_dim3A_88, %select_n3A_58 : vector<128x128xi1>, vector<128x128xf32>
    %jit3A_90 = arith.constant 0xFF800000 : f32
    %broadcast_in_dim3A_91 = vector.broadcast %jit3A_90 : f32 to vector<128x2080xf32>
    %select_n3A_92 = arith.select %eq3A_74, %broadcast_in_dim3A_91, %select_n3A_60 : vector<128x2080xi1>, vector<128x2080xf32>
    %scan3A_93 = arith.constant 98 : i32
    %scan3A_94 = arith.addi %scan3A_29, %scan3A_93 : i32
    %reduce_max3A_95 = arith.constant dense<0xFF800000> : vector<128xf32>
    %reduce_max3A_96 = vector.multi_reduction <maximumf>, %select_n3A_92, %reduce_max3A_95 [1] : vector<128x2080xf32> to vector<128xf32>
    %broadcast_in_dim3A_97 = vector.shape_cast %reduce_max3A_96 : vector<128xf32> to vector<128x1xf32>
    %eq3A_98 = vector.broadcast %broadcast_in_dim3A_97 : vector<128x1xf32> to vector<128x2080xf32>
    %eq3A_99 = arith.cmpf oeq, %select_n3A_92, %eq3A_98 : vector<128x2080xf32>
    %broadcast_in_dim3A_100 = vector.broadcast %scan3A : i32 to vector<128x2080xi32>
    %select_n3A_101 = arith.select %eq3A_99, %concatenate3A_23, %broadcast_in_dim3A_100 : vector<128x2080xi1>, vector<128x2080xi32>
    %reduce_min3A_102 = arith.constant dense<2147483647> : vector<128xi32>
    %reduce_min3A_103 = vector.multi_reduction <minsi>, %select_n3A_101, %reduce_min3A_102 [1] : vector<128x2080xi32> to vector<128xi32>
    %broadcast_in_dim3A_104 = vector.shape_cast %reduce_min3A_103 : vector<128xi32> to vector<128x1xi32>
    %eq3A_105 = vector.broadcast %broadcast_in_dim3A_104 : vector<128x1xi32> to vector<128x2080xi32>
    %eq3A_106 = arith.cmpi eq, %select_n3A_101, %eq3A_105 : vector<128x2080xi32>
    %broadcast_in_dim3A_107 = vector.broadcast %scan3A : i32 to vector<128x2080xi32>
    %select_n3A_108 = arith.select %eq3A_106, %concatenate3A_11, %broadcast_in_dim3A_107 : vector<128x2080xi1>, vector<128x2080xi32>
    %reduce_min3A_109 = arith.constant dense<2147483647> : vector<128xi32>
    %reduce_min3A_110 = vector.multi_reduction <minsi>, %select_n3A_108, %reduce_min3A_109 [1] : vector<128x2080xi32> to vector<128xi32>
    %broadcast_in_dim3A_111 = vector.shape_cast %reduce_min3A_110 : vector<128xi32> to vector<128x1xi32>
    %eq3A_112 = vector.broadcast %scan3A_94 : i32 to vector<128x128xi32>
    %eq3A_113 = arith.cmpi eq, %iota3A_24, %eq3A_112 : vector<128x128xi32>
    %broadcast_in_dim3A_114 = vector.shape_cast %broadcast_in_dim3A_111 : vector<128x1xi32> to vector<128x1xi32>
    %broadcast_in_dim3A_115 = vector.broadcast %broadcast_in_dim3A_114 : vector<128x1xi32> to vector<128x128xi32>
    %select_n3A_116 = arith.select %eq3A_113, %broadcast_in_dim3A_115, %select_n3A_84 : vector<128x128xi1>, vector<128x128xi32>
    %eq3A_117 = vector.broadcast %scan3A_94 : i32 to vector<128x128xi32>
    %eq3A_118 = arith.cmpi eq, %iota3A_24, %eq3A_117 : vector<128x128xi32>
    %broadcast_in_dim3A_119 = vector.shape_cast %broadcast_in_dim3A_97 : vector<128x1xf32> to vector<128x1xf32>
    %broadcast_in_dim3A_120 = vector.broadcast %broadcast_in_dim3A_119 : vector<128x1xf32> to vector<128x128xf32>
    %select_n3A_121 = arith.select %eq3A_118, %broadcast_in_dim3A_120, %select_n3A_89 : vector<128x128xi1>, vector<128x128xf32>
    %jit3A_122 = arith.constant 0xFF800000 : f32
    %broadcast_in_dim3A_123 = vector.broadcast %jit3A_122 : f32 to vector<128x2080xf32>
    %select_n3A_124 = arith.select %eq3A_106, %broadcast_in_dim3A_123, %select_n3A_92 : vector<128x2080xi1>, vector<128x2080xf32>
    %scan3A_125 = arith.constant 99 : i32
    %scan3A_126 = arith.addi %scan3A_29, %scan3A_125 : i32
    %reduce_max3A_127 = arith.constant dense<0xFF800000> : vector<128xf32>
    %reduce_max3A_128 = vector.multi_reduction <maximumf>, %select_n3A_124, %reduce_max3A_127 [1] : vector<128x2080xf32> to vector<128xf32>
    %broadcast_in_dim3A_129 = vector.shape_cast %reduce_max3A_128 : vector<128xf32> to vector<128x1xf32>
    %eq3A_130 = vector.broadcast %broadcast_in_dim3A_129 : vector<128x1xf32> to vector<128x2080xf32>
    %eq3A_131 = arith.cmpf oeq, %select_n3A_124, %eq3A_130 : vector<128x2080xf32>
    %broadcast_in_dim3A_132 = vector.broadcast %scan3A : i32 to vector<128x2080xi32>
    %select_n3A_133 = arith.select %eq3A_131, %concatenate3A_23, %broadcast_in_dim3A_132 : vector<128x2080xi1>, vector<128x2080xi32>
    %reduce_min3A_134 = arith.constant dense<2147483647> : vector<128xi32>
    %reduce_min3A_135 = vector.multi_reduction <minsi>, %select_n3A_133, %reduce_min3A_134 [1] : vector<128x2080xi32> to vector<128xi32>
    %broadcast_in_dim3A_136 = vector.shape_cast %reduce_min3A_135 : vector<128xi32> to vector<128x1xi32>
    %eq3A_137 = vector.broadcast %broadcast_in_dim3A_136 : vector<128x1xi32> to vector<128x2080xi32>
    %eq3A_138 = arith.cmpi eq, %select_n3A_133, %eq3A_137 : vector<128x2080xi32>
    %broadcast_in_dim3A_139 = vector.broadcast %scan3A : i32 to vector<128x2080xi32>
    %select_n3A_140 = arith.select %eq3A_138, %concatenate3A_11, %broadcast_in_dim3A_139 : vector<128x2080xi1>, vector<128x2080xi32>
    %reduce_min3A_141 = arith.constant dense<2147483647> : vector<128xi32>
    %reduce_min3A_142 = vector.multi_reduction <minsi>, %select_n3A_140, %reduce_min3A_141 [1] : vector<128x2080xi32> to vector<128xi32>
    %broadcast_in_dim3A_143 = vector.shape_cast %reduce_min3A_142 : vector<128xi32> to vector<128x1xi32>
    %eq3A_144 = vector.broadcast %scan3A_126 : i32 to vector<128x128xi32>
    %eq3A_145 = arith.cmpi eq, %iota3A_24, %eq3A_144 : vector<128x128xi32>
    %broadcast_in_dim3A_146 = vector.shape_cast %broadcast_in_dim3A_143 : vector<128x1xi32> to vector<128x1xi32>
    %broadcast_in_dim3A_147 = vector.broadcast %broadcast_in_dim3A_146 : vector<128x1xi32> to vector<128x128xi32>
    %select_n3A_148 = arith.select %eq3A_145, %broadcast_in_dim3A_147, %select_n3A_116 : vector<128x128xi1>, vector<128x128xi32>
    %eq3A_149 = vector.broadcast %scan3A_126 : i32 to vector<128x128xi32>
    %eq3A_150 = arith.cmpi eq, %iota3A_24, %eq3A_149 : vector<128x128xi32>
    %broadcast_in_dim3A_151 = vector.shape_cast %broadcast_in_dim3A_129 : vector<128x1xf32> to vector<128x1xf32>
    %broadcast_in_dim3A_152 = vector.broadcast %broadcast_in_dim3A_151 : vector<128x1xf32> to vector<128x128xf32>
    %select_n3A_153 = arith.select %eq3A_150, %broadcast_in_dim3A_152, %select_n3A_121 : vector<128x128xi1>, vector<128x128xf32>
    %jit3A_154 = arith.constant 0xFF800000 : f32
    %broadcast_in_dim3A_155 = vector.broadcast %jit3A_154 : f32 to vector<128x2080xf32>
    %select_n3A_156 = arith.select %eq3A_138, %broadcast_in_dim3A_155, %select_n3A_124 : vector<128x2080xi1>, vector<128x2080xf32>
    %scan3A_157 = arith.constant 100 : i32
    %swap3A = arith.constant 0 : index
    %swap3A_158 = arith.constant 0 : index
    %swap3A_159 = vector.load %arg5[%swap3A, %swap3A_158] : memref<128x128xi32, #tpu.memory_space<vmem>>, vector<128x128xi32>
    tpu.vector_store %arg5[%swap3A, %swap3A_158], %select_n3A_148 {strides = array<i32>} : memref<128x128xi32, #tpu.memory_space<vmem>>, vector<128x128xi32>,
    %swap3A_160 = arith.constant 0 : index
    %swap3A_161 = arith.constant 0 : index
    %swap3A_162 = vector.load %arg6[%swap3A_160, %swap3A_161] : memref<128x128xf32, #tpu.memory_space<vmem>>, vector<128x128xf32>
    tpu.vector_store %arg6[%swap3A_160, %swap3A_161], %select_n3A_153 {strides = array<i32>} : memref<128x128xf32, #tpu.memory_space<vmem>>, vector<128x128xf32>,
    return
  }
}

</mosaic_0001>

<sc_bundles>
// kernel: kernel.10.cloned.1.call-start
scs
__scs_entry_jumppad:
0x0: {  	(pc) =	sbr.rel $0x88, $3  }
0x1: {  	(tag) =	ssettag $0x0;
	lr =	simm.s32 $0x1  }
0x2: {  	[smem:$0x3F9F] =	sst lr;
	_ =	strace $0xD0000000  }
0x3: {  	_ = 	snop  }
0x4: {  	_ = 	snop  }
0x5: {  	_ = 	snop  }
0x6: {  	_ = 	snop  }
0x7: {  	_ = 	snop  }
__scs_overlays_trampoline_lowered:
0x8: {  	[smem:$0x3FAE] =	sst s0  }
0x9: {  	[smem:$0x3FAF] =	sst s1  }
0xa: {  	[smem:$0x3FB0] =	sst s2  }
0xb: {  	[smem:$0x3FB1] =	sst s3  }
0xc: {  	[smem:$0x3FB2] =	sst s4  }
0xd: {  	[smem:$0x3FB3] =	sst s5  }
0xe: {  	[smem:$0x3FB4] =	sst s6  }
0xf: {  	[smem:$0x3FB5] =	sst s7  }
0x10: {  	[smem:$0x3FB6] =	sst s8  }
0x11: {  	[smem:$0x3FB7] =	sst s9;
	s0 =	simm.s32 @!p0 $0x0  }
0x12: {  	s1 =	sld [smem:$0x3F9D];
	s0 =	simm.s32 @p0 $0x1  }
0x13: {  	[smem:$0x3FB8] =	sst s0;
	s0 =	simm.s32 @!p1 $0x0  }
0x14: {  	s2 =	sld [smem:$0x3F9C];
	s0 =	simm.s32 @p1 $0x1  }
0x15: {  	[smem:$0x3FB9] =	sst s0;
	s0 =	simm.s32 @!p2 $0x0  }
0x16: {  	s3 =	sld [smem:$0x3FDB];
	s0 =	simm.s32 @p2 $0x1  }
0x17: {  	s4 =	simm.s32 $0x1BF5;
	[smem:$0x3FBB] =	sst s0  }
0x18: {  	s0 =	sld [smem:$0x3F9E];
	_ =	swait.ge [sflag:s4], $0x0  }
0x19: {  	s7 =	sld [smem:$0x3F9F]  }
0x1a: {  	s8 =	sadd.s32 $0xFFFFE003, lr  }
0x1b: {  	s9 =	sadd.s32 $0xFFFFFEF7, lr;
	s5 =	simm.s32 $0xFFFFFFFF;
	p2 =	slt.u32 s8, $0xFFFFF086  }
0x1c: {  	p1 =	slt.u32 s9, $0xF7A;
	s5 =	simm.s32 @!p2 $0x0  }
0x1d: {  	s5 =	simm.s32 @p1 $0x1;
	p0 =	seq.s32 s7, s2  }
0x1e: {  	s7 =	smul.u32 @!p0 $0xF7A, s2;
	p2 =	seq.s32 @!p0 s5, $0x0  }
0x1f: {  	s9 =	smul.u32 $0xF7A, s1;
	s8 =	simm.s32 @!p0 $0x1BF5;
	p2 =	por !p2, p0  }
0x20: {  	[sflag:s8] =	ssyncset.s32 @!p0 $0xFFFFF086;
	s6 =	sadd.s32 @!p0 s3, s7;
	s7 =	simm.s32 @!p0 $0x108  }
0x21: {  	s3 =	sadd.s32 s3, s9;
	s6 =	sadd.s32 @!p0 $0x88, s6;
	s7 =	simm.s32 @p2 $0x1082  }
0x22: {  	[simem:s7], [sflag:s8] =	dma.local @!p0 [hbm:s6], $0xF7A  }
0x23: {  	s9 =	sor.u32 $0xD0000000, s2;
	s6 =	simm.s32 $0x108;
	_ =	swait.ge @!p0 [sflag:s8], $0x0  }
0x24: {  	s3 =	sadd.s32 $0x88, s3;
	s6 =	simm.s32 @!p1 $0x1082;
	[sflag:s4] =	ssyncset.s32 $0xFFFFF086  }
0x25: {  	[simem:s6], [sflag:s4] =	dma.local [hbm:s3], $0xF7A  }
0x26: {  	[smem:$0x3F9F] =	sst s1;
	(tag) =	ssettag s2;
	_ =	strace s9  }
0x27: {  	s1 =	sld [smem:$0x3FAF]  }
0x28: {  	s2 =	sld [smem:$0x3FB0]  }
0x29: {  	s4 =	sld [smem:$0x3FB2]  }
0x2a: {  	p0 =	seq.s32 s5, $0x0;
	s5 =	sld [smem:$0x3FB3]  }
0x2b: {  	s6 =	sld [smem:$0x3FB4]  }
0x2c: {  	s7 =	sld [smem:$0x3FB5]  }
0x2d: {  	s3 =	simm.s32 $0x108;
	s8 =	sld [smem:$0x3FB6]  }
0x2e: {  	s3 =	simm.s32 @!p0 $0x1082;
	s9 =	sld [smem:$0x3FB7]  }
0x2f: {  	lr =	sadd.s32 s0, s3;
	s0 =	sld [smem:$0x3FAE]  }
0x30: {  	s3 =	sld [smem:$0x3FB1]  }
0x31: {  	[smem:$0x3FBA] =	sst s10  }
0x32: {  	s10 =	sld [smem:$0x3FB8];
	_ =	sdelay $0x3  }
0x33: {  	p0 =	seq.s32 s10, $0x1;
	s10 =	sld [smem:$0x3FBA];
	_ =	sdelay $0x3  }
0x34: {  	[smem:$0x3FBA] =	sst s10  }
0x35: {  	s10 =	sld [smem:$0x3FB9];
	_ =	sdelay $0x3  }
0x36: {  	p1 =	seq.s32 s10, $0x1;
	s10 =	sld [smem:$0x3FBA];
	_ =	sdelay $0x3  }
0x37: {  	[smem:$0x3FBA] =	sst s10  }
0x38: {  	s10 =	sld [smem:$0x3FBB]  }
0x39: {  	_ = 	snop;
	(pc) =	sbr.ind lr, $3  }
0x3a: {  	_ = 	snop  }
0x3b: {  	_ = 	snop  }
0x3c: {  	p2 =	seq.s32 s10, $0x1;
	s10 =	sld [smem:$0x3FBA]  }
0x3d: {  	_ =	shalt  }
0x3e: {  	_ =	shalt  }
0x3f: {  	_ =	shalt  }
0x40: {  	_ =	shalt  }
0x41: {  	_ =	shalt  }
0x42: {  	_ =	shalt  }
0x43: {  	_ =	shalt  }
0x44: {  	_ =	shalt  }
0x45: {  	_ =	shalt  }
0x46: {  	_ =	shalt  }
0x47: {  	_ =	shalt  }
0x48: {  	_ =	shalt  }
0x49: {  	_ =	shalt  }
0x4a: {  	_ =	shalt  }
0x4b: {  	_ =	shalt  }
0x4c: {  	_ =	shalt  }
0x4d: {  	_ =	shalt  }
0x4e: {  	_ =	shalt  }
0x4f: {  	_ =	shalt  }
0x50: {  	_ =	shalt  }
0x51: {  	_ =	shalt  }
0x52: {  	_ =	shalt  }
0x53: {  	_ =	shalt  }
0x54: {  	_ =	shalt  }
0x55: {  	_ =	shalt  }
0x56: {  	_ =	shalt  }
0x57: {  	_ =	shalt  }
0x58: {  	_ =	shalt  }
0x59: {  	_ =	shalt  }
0x5a: {  	_ =	shalt  }
0x5b: {  	_ =	shalt  }
0x5c: {  	_ =	shalt  }
0x5d: {  	_ =	shalt  }
0x5e: {  	_ =	shalt  }
0x5f: {  	_ =	shalt  }
0x60: {  	_ =	shalt  }
0x61: {  	_ =	shalt  }
0x62: {  	_ =	shalt  }
0x63: {  	_ =	shalt  }
0x64: {  	_ =	shalt  }
0x65: {  	_ =	shalt  }
0x66: {  	_ =	shalt  }
0x67: {  	_ =	shalt  }
0x68: {  	_ =	shalt  }
0x69: {  	_ =	shalt  }
0x6a: {  	_ =	shalt  }
0x6b: {  	_ =	shalt  }
0x6c: {  	_ =	shalt  }
0x6d: {  	_ =	shalt  }
0x6e: {  	_ =	shalt  }
0x6f: {  	_ =	shalt  }
0x70: {  	_ =	shalt  }
0x71: {  	_ =	shalt  }
0x72: {  	_ =	shalt  }
0x73: {  	_ =	shalt  }
0x74: {  	_ =	shalt  }
0x75: {  	_ =	shalt  }
0x76: {  	_ =	shalt  }
0x77: {  	_ =	shalt  }
0x78: {  	_ =	shalt  }
0x79: {  	_ =	shalt  }
0x7a: {  	_ =	shalt  }
0x7b: {  	_ =	shalt  }
0x7c: {  	_ =	shalt  }
0x7d: {  	_ =	shalt  }
0x7e: {  	_ =	shalt  }
0x7f: {  	_ =	shalt  }
0x80: {  	_ =	shalt  }
0x81: {  	_ =	shalt  }
0x82: {  	_ =	shalt  }
0x83: {  	_ =	shalt  }
0x84: {  	_ =	shalt  }
0x85: {  	_ =	shalt  }
0x86: {  	_ =	shalt  }
0x87: {  	_ =	shalt  }
.Lfunc_end0:
.L_simem_size_0:
called_computation.1_lowered:
.L_overlay_start_0:
0x88: {  	s2 =	sld [smem:$0x3FD9]  }
0x89: {  	s3 =	sld [smem:$0x3FFE];
	_ =	sdelay $0x1  }
0x8a: {  	s1 =	srdreg.scid  }
0x8b: {  	s0 =	sand.u32 $0x1, s1  }
0x8c: {  	s17 =	sshll.u32 s0, $0xA;
	s2 =	sadd.s32 s3, s2  }
0x8d: {  	s2 =	sadd.s32 s2, s17  }
0x8e: {  	[smem:$0x3FC6] =	sst s2  }
0x8f: {  	_ = 	snop  }
0x90: {  	s2 =	sld [smem:$0x3FC8];
	(tm) =	ssettm $0x1  }
0x91: {  	s18 =	sld [smem:$0x3FFB];
	_ =	sdelay $0x3  }
0x92: {  	_ =	strace s18  }
0x93: {  	s3 =	sld [smem:$0x3FFC];
	_ =	sdelay $0x3  }
0x94: {  	_ =	strace s3  }
0x95: {  	s3 =	sld [smem:$0x3FFD];
	_ =	sdelay $0x3  }
0x96: {  	_ =	strace s3  }
0x97: {  	_ =	strace $0x8FFFFFFF  }
0x98: {  	s19 =	sld [smem:$0x3FDB];
	_ =	sdelay $0x1  }
0x99: {  	s4 =	simm.s32 $_scs_section_size  }
0x9a: {  	s5 =	simm.s32 $_size__tile_overlayer_lowered;
	s6 =	simm.s32 $_tile_overlayer_lowered  }
0x9b: {  	s22 =	simm.s32 $0x1BFF;
	s21 =	sshll.u32 s6, $0x1;
	s3 =	sadd.s32 s4, s19  }
0x9c: {  	s7 =	simm.s32 $0x0;
	s20 =	sshll.u32 s5, $0x1;
	s5 =	sadd.s32 s21, s3  }
0x9d: {  	[timem:s7], [sflag:s22] =	dma.local [hbm:s5], s20  }
0x9e: {  	_ =	swait.ge [sflag:s22], s20  }
0x9f: {  	s4 =	ssub.s32 $0x0, s20;
	[sflag:s22] =	ssyncset.done $0x0  }
0xa0: {  	[sflag:s22] =	ssyncadd.s32 s4;
	_ =	sdelay $0x1  }
0xa1: {  	s23 =	simm.s32 $0x1B8B  }
0xa2: {  	_ =	swait.ge [sflag:s23], $0x1  }
0xa3: {  	[sflag:s23] =	ssyncset.done $0x0  }
0xa4: {  	s25 =	simm.s32 $0x1B8E;
	s24 =	sld [smem:$0x3FFE];
	[sflag:s23] =	ssyncadd.s32 $0xFFFFFFFF  }
0xa5: {  	s26 =	simm.s32 $execute0_lowered;
	[smem:$0x3FD2] =	sst s25  }
0xa6: {  	s5 =	sshll.u32 s26, $0x1;
	_ =	strace $0x80000049;
	[dreg:$0x1] =	wrdreg $0xFFFFFFFF  }
0xa7: {  	s28 =	simm.s32 $_size_execute0_lowered;
	s3 =	sadd.s32 s3, s5;
	[dreg:$0x0] =	wrdreg $0x0  }
0xa8: {  	s5 =	sshll.u32 s28, $0x1;
	[dreg:$0x2] =	wrdreg s3  }
0xa9: {  	[dreg:$0x3] =	wrdreg s5  }
0xaa: {  	[dreg:$0x4] =	wrdreg $0xC0  }
0xab: {  	_ =	task [dreg:s7], $0x5FFFF  }
0xac: {  	[dreg:$0x1] =	wrdreg $0xFFFFFFFF  }
0xad: {  	[dreg:$0x0] =	wrdreg $0x60  }
0xae: {  	[dreg:$0x2] =	wrdreg s24  }
0xaf: {  	[dreg:$0x3] =	wrdreg s2  }
0xb0: {  	[dreg:$0x4] =	wrdreg $0x9  }
0xb1: {  	_ =	task.clear_ibuf [dreg:s7], $0x5FFFF;
	_ =	strace $0x90000049  }
0xb2: {  	s29 =	simm.s32 $0x9;
	_ =	strace $0x8000004B  }
0xb3: {  	_ =	swait.ge [sflag:s29], $0x1  }
0xb4: {  	[sflag:s29] =	ssyncadd.s32 $0xFFFFFFFF  }
0xb5: {  	_ =	strace $0x9000004B  }
0xb6: {  	_ =	sfence  }
0xb7: {  	s30 =	sld [smem:$0x0];
	_ =	sdelay $0x2  }
0xb8: {  	s31 =	sshll.u32 s1, $0xD;
	s1 =	sshrl.u32 s1, $0x2  }
0xb9: {  	s3 =	sand.u32 $0x4000, s31;
	s1 =	sadd.s32 s1, s30  }
0xba: {  	s0 =	sor.u32 s3, s0;
	s1 =	sshll.u32 s1, $0x11  }
0xbb: {  	s0 =	sor.u32 s1, s0  }
0xbc: {  	s0 =	sadd.s32 $0x8F2B, s0  }
0xbd: {  	[sflag:s0] =	ssyncadd.remote.s32 $0x1  }
0xbe: {  	_ =	sfence.sel $0xFFFF  }
0xbf: {  	[dreg:$0x0] =	wrdreg $0xFFFFFFFF;
	(pc) =	sbr.abs _section_cstart, $3  }
0xc0: {  	[dreg:$0x1] =	wrdreg $0xFFFFFFFF  }
0xc1: {  	_ =	task.clear_ibuf [dreg:s7], $0x2FFFF;
	_ =	strace $0x9FFFFFFF  }
0xc2: {  	(tm) =	ssettm $0x7FFFFFFF  }
0xc3: {  	_ =	shalt  }
tec
execute0_lowered:
.L_overlay_start_1:
0x0: {  	(tag) =	ssettag $0x1  }
0x1: {  	s1 =	srdreg.scid;
	s0 =	stileid.u32  }
0x2: {  	s25 =	rddreg [dreg:$0x0];
	s24 =	sand.u32 $0x1, s1;
	s30 =	sshll.u32 s0, $0x1  }
0x3: {  	s2 =	rddreg [dreg:$0x1];
	s26 =	sor.u32 s24, s30  }
0x4: {  	s3 =	simm.s32 $0x0;
	s1 =	rddreg [dreg:$0x2];
	s4 =	sshll.u32 s26, $0x6  }
0x5: {  	[smem:$0x7FF] =	sst s3;
	s6 =	sadd.s32 s4, s25  }
0x6: {  	_ =	strace $0x8000004A;
	s4 =	simm.s32 $0x2;
	s5 =	sadd.s32 $0x189400, s6  }
0x7: {  	[tilespmem:s3], [sflag:$0x2] =	stream.linear.gather [hbm4b:s5+s3], $0x200, $0x38;
	[tilespmem:$0x4400] =	vst v63  }
0x8: {  	_ =	swait.ge [sflag:s4], $0x200  }
0x9: {  	[sflag:s4] =	ssyncset.done $0x0  }
0xa: {  	s7 =	simm.s32 $0x200;
	s6 =	sadd.s32 $0x188C00, s6;
	[sflag:s4] =	ssyncadd.s32 $0xFFFFFE00  }
0xb: {  	[tilespmem:s7], [sflag:$0x2] =	stream.linear.gather [hbm4b:s6+s3], $0x200, $0x38;
	[tilespmem:$0x4400] =	vst v63  }
0xc: {  	_ =	swait.ge [sflag:s4], $0x200  }
0xd: {  	s9 =	simm.s32 $0x80;
	[sflag:s4] =	ssyncset.done $0x0  }
0xe: {  	s10 =	simm.s32 $0x400;
	s8 =	sadd.s32 $0x34FC00, s25;
	[sflag:s4] =	ssyncadd.s32 $0xFFFFFE00  }
0xf: {  	[tilespmem:s10], [sflag:$0x1] =	stream.indirect.gather [hbm4b:s8+s9], $0x10, s3, s9, $0xb8;
	[tilespmem:$0x4400] =	vst v63  }
0x10: {  	s11 =	simm.s32 $0xC00  }
0x11: {  	[tilespmem:s11], [sflag:$0x1] =	stream.indirect.gather [hbm4b:s8+s9], $0x10, s9, s9, $0xb8;
	[tilespmem:$0x4400] =	vst v63  }
0x12: {  	s12 =	simm.s32 $0x100;
	s13 =	simm.s32 $0x1400  }
0x13: {  	[tilespmem:s13], [sflag:$0x1] =	stream.indirect.gather [hbm4b:s8+s9], $0x10, s12, s9, $0xb8;
	[tilespmem:$0x4400] =	vst v63  }
0x14: {  	s14 =	simm.s32 $0x180;
	s15 =	simm.s32 $0x1C00  }
0x15: {  	[tilespmem:s15], [sflag:$0x1] =	stream.indirect.gather [hbm4b:s8+s9], $0x10, s14, s9, $0xb8;
	[tilespmem:$0x4400] =	vst v63  }
0x16: {  	s16 =	simm.s32 $0x2400  }
0x17: {  	[tilespmem:s16], [sflag:$0x1] =	stream.indirect.gather [hbm4b:s2+s9], $0x10, s7, s9, $0xb8;
	[tilespmem:$0x4400] =	vst v63  }
0x18: {  	s17 =	simm.s32 $0x280;
	s18 =	simm.s32 $0x2C00  }
0x19: {  	[tilespmem:s18], [sflag:$0x1] =	stream.indirect.gather [hbm4b:s2+s9], $0x10, s17, s9, $0xb8;
	[tilespmem:$0x4400] =	vst v63  }
0x1a: {  	s19 =	simm.s32 $0x300;
	s20 =	simm.s32 $0x3400  }
0x1b: {  	[tilespmem:s20], [sflag:$0x1] =	stream.indirect.gather [hbm4b:s2+s9], $0x10, s19, s9, $0xb8;
	[tilespmem:$0x4400] =	vst v63  }
0x1c: {  	s21 =	simm.s32 $0x380;
	s22 =	simm.s32 $0x3C00;
	s23 =	simm.s32 $0x1  }
0x1d: {  	[tilespmem:s22], [sflag:$0x1] =	stream.indirect.gather [hbm4b:s2+s9], $0x10, s21, s9, $0xb8;
	[tilespmem:$0x4400] =	vst v63  }
0x1e: {  	_ =	swait.ge [sflag:s23], $0x800  }
0x1f: {  	[sflag:s23] =	ssyncset.done $0x0  }
0x20: {  	[sflag:s23] =	ssyncadd.s32 $0xFFFFF800  }
0x21: {  	_ =	swait.ge [sflag:s23], $0x800  }
0x22: {  	[sflag:s23] =	ssyncset.done $0x0  }
0x23: {  	[sflag:s23] =	ssyncadd.s32 $0xFFFFF800  }
0x24: {  	_ =	swait.ge [sflag:s23], $0x800  }
0x25: {  	[sflag:s23] =	ssyncset.done $0x0  }
0x26: {  	[sflag:s23] =	ssyncadd.s32 $0xFFFFF800  }
0x27: {  	_ =	swait.ge [sflag:s23], $0x800  }
0x28: {  	[sflag:s23] =	ssyncset.done $0x0  }
0x29: {  	[sflag:s23] =	ssyncadd.s32 $0xFFFFF800  }
0x2a: {  	_ =	swait.ge [sflag:s23], $0x800  }
0x2b: {  	[sflag:s23] =	ssyncset.done $0x0  }
0x2c: {  	[sflag:s23] =	ssyncadd.s32 $0xFFFFF800  }
0x2d: {  	_ =	swait.ge [sflag:s23], $0x800  }
0x2e: {  	[sflag:s23] =	ssyncset.done $0x0  }
0x2f: {  	[sflag:s23] =	ssyncadd.s32 $0xFFFFF800  }
0x30: {  	_ =	swait.ge [sflag:s23], $0x800  }
0x31: {  	[sflag:s23] =	ssyncset.done $0x0  }
0x32: {  	s31 =	ssub.s32 $0x2, s24;
	[sflag:s23] =	ssyncadd.s32 $0xFFFFF800  }
0x33: {  	s26 =	sshll.u32 s26, $0xA;
	s28 =	sshrl.u32 s31, $0x1;
	_ =	swait.ge [sflag:s23], $0x800  }
0x34: {  	s25 =	sadd.s32 s26, s25;
	s26 =	ssub.s32 s31, s28;
	[sflag:s23] =	ssyncset.done $0x0  }
0x35: {  	s24 =	sadd.s32 $0x189C00, s25;
	s26 =	smax.u32 s26, $0x1;
	[sflag:s23] =	ssyncadd.s32 $0xFFFFF800  }
0x36: {  	[hbm4b:s24+s3] =	stream.linear.scatter [tilespmem:s10], [sflag:$0x2], $0x2000, $0x38;
	[tilespmem:$0x4400] =	vst v63  }
0x37: {  	p0 =	sne.s32 s26, $0x1;
	_ =	swait.ge [sflag:s4], $0x2000  }
.Ltmp0:
0x38: {  	[sflag:s4] =	ssyncset.done $0x0;
	(pc) =	sbr.rel @!p0 .LBB2_2-.Ltmp0, $4  }
0x39: {  	s25 =	sadd.s32 $0x191C00, s25;
	[sflag:s4] =	ssyncadd.s32 $0xFFFFE000  }
0x3a: {  	[hbm4b:s25+s3] =	stream.linear.scatter [tilespmem:s16], [sflag:$0x2], $0x2000, $0x38;
	[tilespmem:$0x4400] =	vst v63  }
0x3b: {  	_ =	swait.ge [sflag:s4], $0x2000  }
0x3c: {  	s26 =	sadd.s32 $0xFFFFFFFF, s26;
	[sflag:s4] =	ssyncset.done $0x0  }
.LBB2_1:
0x3d: {  	p0 =	sne.s32 s26, $0x1;
	s26 =	sadd.s32 $0xFFFFFFFF, s26;
	[sflag:s4] =	ssyncadd.s32 $0xFFFFE000  }
0x3e: {  	[tilespmem:s3], [sflag:$0x2] =	stream.linear.gather [hbm4b:s5+s3], $0x200, $0x38;
	[tilespmem:$0x4400] =	vst v63  }
0x3f: {  	_ =	swait.ge [sflag:s4], $0x200  }
0x40: {  	[sflag:s4] =	ssyncset.done $0x0  }
0x41: {  	[sflag:s4] =	ssyncadd.s32 $0xFFFFFE00  }
0x42: {  	[tilespmem:s7], [sflag:$0x2] =	stream.linear.gather [hbm4b:s6+s3], $0x200, $0x38;
	[tilespmem:$0x4400] =	vst v63  }
0x43: {  	_ =	swait.ge [sflag:s4], $0x200  }
0x44: {  	[sflag:s4] =	ssyncset.done $0x0  }
0x45: {  	[sflag:s4] =	ssyncadd.s32 $0xFFFFFE00  }
0x46: {  	[tilespmem:s10], [sflag:$0x1] =	stream.indirect.gather [hbm4b:s8+s9], $0x10, s3, s9, $0xb8;
	[tilespmem:$0x4400] =	vst v63  }
0x47: {  	_ = 	snop  }
0x48: {  	[tilespmem:s11], [sflag:$0x1] =	stream.indirect.gather [hbm4b:s8+s9], $0x10, s9, s9, $0xb8;
	[tilespmem:$0x4400] =	vst v63  }
0x49: {  	_ = 	snop  }
0x4a: {  	[tilespmem:s13], [sflag:$0x1] =	stream.indirect.gather [hbm4b:s8+s9], $0x10, s12, s9, $0xb8;
	[tilespmem:$0x4400] =	vst v63  }
0x4b: {  	_ = 	snop  }
0x4c: {  	[tilespmem:s15], [sflag:$0x1] =	stream.indirect.gather [hbm4b:s8+s9], $0x10, s14, s9, $0xb8;
	[tilespmem:$0x4400] =	vst v63  }
0x4d: {  	_ = 	snop  }
0x4e: {  	[tilespmem:s16], [sflag:$0x1] =	stream.indirect.gather [hbm4b:s2+s9], $0x10, s7, s9, $0xb8;
	[tilespmem:$0x4400] =	vst v63  }
0x4f: {  	_ = 	snop  }
0x50: {  	[tilespmem:s18], [sflag:$0x1] =	stream.indirect.gather [hbm4b:s2+s9], $0x10, s17, s9, $0xb8;
	[tilespmem:$0x4400] =	vst v63  }
0x51: {  	_ = 	snop  }
0x52: {  	[tilespmem:s20], [sflag:$0x1] =	stream.indirect.gather [hbm4b:s2+s9], $0x10, s19, s9, $0xb8;
	[tilespmem:$0x4400] =	vst v63  }
0x53: {  	_ = 	snop  }
0x54: {  	[tilespmem:s22], [sflag:$0x1] =	stream.indirect.gather [hbm4b:s2+s9], $0x10, s21, s9, $0xb8;
	[tilespmem:$0x4400] =	vst v63  }
0x55: {  	_ =	swait.ge [sflag:s23], $0x800  }
0x56: {  	[sflag:s23] =	ssyncset.done $0x0  }
0x57: {  	[sflag:s23] =	ssyncadd.s32 $0xFFFFF800  }
0x58: {  	_ =	swait.ge [sflag:s23], $0x800  }
0x59: {  	[sflag:s23] =	ssyncset.done $0x0  }
0x5a: {  	[sflag:s23] =	ssyncadd.s32 $0xFFFFF800  }
0x5b: {  	_ =	swait.ge [sflag:s23], $0x800  }
0x5c: {  	[sflag:s23] =	ssyncset.done $0x0  }
0x5d: {  	[sflag:s23] =	ssyncadd.s32 $0xFFFFF800  }
0x5e: {  	_ =	swait.ge [sflag:s23], $0x800  }
0x5f: {  	[sflag:s23] =	ssyncset.done $0x0  }
0x60: {  	[sflag:s23] =	ssyncadd.s32 $0xFFFFF800  }
0x61: {  	_ =	swait.ge [sflag:s23], $0x800  }
0x62: {  	[sflag:s23] =	ssyncset.done $0x0  }
0x63: {  	[sflag:s23] =	ssyncadd.s32 $0xFFFFF800  }
0x64: {  	_ =	swait.ge [sflag:s23], $0x800  }
0x65: {  	[sflag:s23] =	ssyncset.done $0x0  }
0x66: {  	[sflag:s23] =	ssyncadd.s32 $0xFFFFF800  }
0x67: {  	_ =	swait.ge [sflag:s23], $0x800  }
0x68: {  	[sflag:s23] =	ssyncset.done $0x0  }
0x69: {  	[sflag:s23] =	ssyncadd.s32 $0xFFFFF800  }
0x6a: {  	_ =	swait.ge [sflag:s23], $0x800  }
0x6b: {  	[sflag:s23] =	ssyncset.done $0x0  }
0x6c: {  	[sflag:s23] =	ssyncadd.s32 $0xFFFFF800  }
0x6d: {  	[hbm4b:s24+s3] =	stream.linear.scatter [tilespmem:s10], [sflag:$0x2], $0x2000, $0x38;
	[tilespmem:$0x4400] =	vst v63  }
0x6e: {  	_ =	swait.ge [sflag:s4], $0x2000  }
.Ltmp1:
0x6f: {  	[sflag:s4] =	ssyncset.done $0x0;
	(pc) =	sbr.rel @p0 .LBB2_1-.Ltmp1, $4  }
0x70: {  	[sflag:s4] =	ssyncadd.s32 $0xFFFFE000  }
0x71: {  	[hbm4b:s25+s3] =	stream.linear.scatter [tilespmem:s16], [sflag:$0x2], $0x2000, $0x38;
	[tilespmem:$0x4400] =	vst v63  }
0x72: {  	_ =	swait.ge [sflag:s4], $0x2000  }
0x73: {  	[sflag:s4] =	ssyncset.done $0x0  }
.LBB2_2:
0x74: {  	[sflag:s4] =	ssyncadd.s32 $0xFFFFE000  }
0x75: {  	_ =	sfence.sel $0x180000  }
0x76: {  	[bflag:$0x0] =	sbarrier.arrive $0xFFFF  }
0x77: {  	p0 =	sne.s32 s0, $0x0;
	_ =	strace $0x9000004A  }
0x78: {  	s0 =	sadd.s32 @!p0 $0x100000, s1;
	[bflag:$0x2] =	sbarrier.arrive $0xFFFF  }
0x79: {  	[sflag:s0] =	ssyncadd.tile.s32 @!p0 $0x1;
	_ =	shalt  }
.Lfunc_end2:
_tile_overlayer_lowered:
.L_overlay_start_2:
0x7a: {  	(tag) =	ssettag $0x2  }
0x7b: {  	s0 =	rddreg [dreg:$0x0];
	s2 =	stileid.u32  }
0x7c: {  	s1 =	rddreg [dreg:$0x1];
	p0 =	sne.s32 s2, $0x0  }
0x7d: {  	s3 =	rddreg [dreg:$0x2];
	[bflag:$0x3] =	sbarrier.arrive $0xFFFF;
	s2 =	simm.s32 @!p0 $0x1C02  }
0x7e: {  	[timem:s3], [sflag:s2] =	dma.local @!p0 [hbm:s0], s1  }
0x7f: {  	s0 =	simm.s32 @!p0 $0x2  }
0x80: {  	_ =	swait.ge @!p0 [sflag:s0], s1  }
0x81: {  	s1 =	ssub.s32 @!p0 $0x0, s1;
	[sflag:s0] =	ssyncset.done @!p0 $0x0  }
0x82: {  	[sflag:s0] =	ssyncadd.s32 @!p0 s1  }
0x83: {  	[bflag:$0x3] =	sbarrier.arrive $0xFFFF  }
0x84: {  	_ =	shalt  }

// kernel: kernel.7.cloned.1.call-start
scs
__scs_entry_jumppad:
0x0: {  	(pc) =	sbr.rel $0x88, $3  }
0x1: {  	(tag) =	ssettag $0x0;
	lr =	simm.s32 $0x1  }
0x2: {  	[smem:$0x3F9F] =	sst lr;
	_ =	strace $0xD0000000  }
0x3: {  	_ = 	snop  }
0x4: {  	_ = 	snop  }
0x5: {  	_ = 	snop  }
0x6: {  	_ = 	snop  }
0x7: {  	_ = 	snop  }
__scs_overlays_trampoline_lowered:
0x8: {  	[smem:$0x3FAE] =	sst s0  }
0x9: {  	[smem:$0x3FAF] =	sst s1  }
0xa: {  	[smem:$0x3FB0] =	sst s2  }
0xb: {  	[smem:$0x3FB1] =	sst s3  }
0xc: {  	[smem:$0x3FB2] =	sst s4  }
0xd: {  	[smem:$0x3FB3] =	sst s5  }
0xe: {  	[smem:$0x3FB4] =	sst s6  }
0xf: {  	[smem:$0x3FB5] =	sst s7  }
0x10: {  	[smem:$0x3FB6] =	sst s8  }
0x11: {  	[smem:$0x3FB7] =	sst s9;
	s0 =	simm.s32 @!p0 $0x0  }
0x12: {  	s1 =	sld [smem:$0x3F9D];
	s0 =	simm.s32 @p0 $0x1  }
0x13: {  	[smem:$0x3FB8] =	sst s0;
	s0 =	simm.s32 @!p1 $0x0  }
0x14: {  	s2 =	sld [smem:$0x3F9C];
	s0 =	simm.s32 @p1 $0x1  }
0x15: {  	[smem:$0x3FB9] =	sst s0;
	s0 =	simm.s32 @!p2 $0x0  }
0x16: {  	s3 =	sld [smem:$0x3FDB];
	s0 =	simm.s32 @p2 $0x1  }
0x17: {  	s4 =	simm.s32 $0x1BF5;
	[smem:$0x3FBB] =	sst s0  }
0x18: {  	s0 =	sld [smem:$0x3F9E];
	_ =	swait.ge [sflag:s4], $0x0  }
0x19: {  	s7 =	sld [smem:$0x3F9F]  }
0x1a: {  	s8 =	sadd.s32 $0xFFFFE003, lr  }
0x1b: {  	s9 =	sadd.s32 $0xFFFFFEF7, lr;
	s5 =	simm.s32 $0xFFFFFFFF;
	p2 =	slt.u32 s8, $0xFFFFF086  }
0x1c: {  	p1 =	slt.u32 s9, $0xF7A;
	s5 =	simm.s32 @!p2 $0x0  }
0x1d: {  	s5 =	simm.s32 @p1 $0x1;
	p0 =	seq.s32 s7, s2  }
0x1e: {  	s7 =	smul.u32 @!p0 $0xF7A, s2;
	p2 =	seq.s32 @!p0 s5, $0x0  }
0x1f: {  	s9 =	smul.u32 $0xF7A, s1;
	s8 =	simm.s32 @!p0 $0x1BF5;
	p2 =	por !p2, p0  }
0x20: {  	[sflag:s8] =	ssyncset.s32 @!p0 $0xFFFFF086;
	s6 =	sadd.s32 @!p0 s3, s7;
	s7 =	simm.s32 @!p0 $0x108  }
0x21: {  	s3 =	sadd.s32 s3, s9;
	s6 =	sadd.s32 @!p0 $0x88, s6;
	s7 =	simm.s32 @p2 $0x1082  }
0x22: {  	[simem:s7], [sflag:s8] =	dma.local @!p0 [hbm:s6], $0xF7A  }
0x23: {  	s9 =	sor.u32 $0xD0000000, s2;
	s6 =	simm.s32 $0x108;
	_ =	swait.ge @!p0 [sflag:s8], $0x0  }
0x24: {  	s3 =	sadd.s32 $0x88, s3;
	s6 =	simm.s32 @!p1 $0x1082;
	[sflag:s4] =	ssyncset.s32 $0xFFFFF086  }
0x25: {  	[simem:s6], [sflag:s4] =	dma.local [hbm:s3], $0xF7A  }
0x26: {  	[smem:$0x3F9F] =	sst s1;
	(tag) =	ssettag s2;
	_ =	strace s9  }
0x27: {  	s1 =	sld [smem:$0x3FAF]  }
0x28: {  	s2 =	sld [smem:$0x3FB0]  }
0x29: {  	s4 =	sld [smem:$0x3FB2]  }
0x2a: {  	p0 =	seq.s32 s5, $0x0;
	s5 =	sld [smem:$0x3FB3]  }
0x2b: {  	s6 =	sld [smem:$0x3FB4]  }
0x2c: {  	s7 =	sld [smem:$0x3FB5]  }
0x2d: {  	s3 =	simm.s32 $0x108;
	s8 =	sld [smem:$0x3FB6]  }
0x2e: {  	s3 =	simm.s32 @!p0 $0x1082;
	s9 =	sld [smem:$0x3FB7]  }
0x2f: {  	lr =	sadd.s32 s0, s3;
	s0 =	sld [smem:$0x3FAE]  }
0x30: {  	s3 =	sld [smem:$0x3FB1]  }
0x31: {  	[smem:$0x3FBA] =	sst s10  }
0x32: {  	s10 =	sld [smem:$0x3FB8];
	_ =	sdelay $0x3  }
0x33: {  	p0 =	seq.s32 s10, $0x1;
	s10 =	sld [smem:$0x3FBA];
	_ =	sdelay $0x3  }
0x34: {  	[smem:$0x3FBA] =	sst s10  }
0x35: {  	s10 =	sld [smem:$0x3FB9];
	_ =	sdelay $0x3  }
0x36: {  	p1 =	seq.s32 s10, $0x1;
	s10 =	sld [smem:$0x3FBA];
	_ =	sdelay $0x3  }
0x37: {  	[smem:$0x3FBA] =	sst s10  }
0x38: {  	s10 =	sld [smem:$0x3FBB]  }
0x39: {  	_ = 	snop;
	(pc) =	sbr.ind lr, $3  }
0x3a: {  	_ = 	snop  }
0x3b: {  	_ = 	snop  }
0x3c: {  	p2 =	seq.s32 s10, $0x1;
	s10 =	sld [smem:$0x3FBA]  }
0x3d: {  	_ =	shalt  }
0x3e: {  	_ =	shalt  }
0x3f: {  	_ =	shalt  }
0x40: {  	_ =	shalt  }
0x41: {  	_ =	shalt  }
0x42: {  	_ =	shalt  }
0x43: {  	_ =	shalt  }
0x44: {  	_ =	shalt  }
0x45: {  	_ =	shalt  }
0x46: {  	_ =	shalt  }
0x47: {  	_ =	shalt  }
0x48: {  	_ =	shalt  }
0x49: {  	_ =	shalt  }
0x4a: {  	_ =	shalt  }
0x4b: {  	_ =	shalt  }
0x4c: {  	_ =	shalt  }
0x4d: {  	_ =	shalt  }
0x4e: {  	_ =	shalt  }
0x4f: {  	_ =	shalt  }
0x50: {  	_ =	shalt  }
0x51: {  	_ =	shalt  }
0x52: {  	_ =	shalt  }
0x53: {  	_ =	shalt  }
0x54: {  	_ =	shalt  }
0x55: {  	_ =	shalt  }
0x56: {  	_ =	shalt  }
0x57: {  	_ =	shalt  }
0x58: {  	_ =	shalt  }
0x59: {  	_ =	shalt  }
0x5a: {  	_ =	shalt  }
0x5b: {  	_ =	shalt  }
0x5c: {  	_ =	shalt  }
0x5d: {  	_ =	shalt  }
0x5e: {  	_ =	shalt  }
0x5f: {  	_ =	shalt  }
0x60: {  	_ =	shalt  }
0x61: {  	_ =	shalt  }
0x62: {  	_ =	shalt  }
0x63: {  	_ =	shalt  }
0x64: {  	_ =	shalt  }
0x65: {  	_ =	shalt  }
0x66: {  	_ =	shalt  }
0x67: {  	_ =	shalt  }
0x68: {  	_ =	shalt  }
0x69: {  	_ =	shalt  }
0x6a: {  	_ =	shalt  }
0x6b: {  	_ =	shalt  }
0x6c: {  	_ =	shalt  }
0x6d: {  	_ =	shalt  }
0x6e: {  	_ =	shalt  }
0x6f: {  	_ =	shalt  }
0x70: {  	_ =	shalt  }
0x71: {  	_ =	shalt  }
0x72: {  	_ =	shalt  }
0x73: {  	_ =	shalt  }
0x74: {  	_ =	shalt  }
0x75: {  	_ =	shalt  }
0x76: {  	_ =	shalt  }
0x77: {  	_ =	shalt  }
0x78: {  	_ =	shalt  }
0x79: {  	_ =	shalt  }
0x7a: {  	_ =	shalt  }
0x7b: {  	_ =	shalt  }
0x7c: {  	_ =	shalt  }
0x7d: {  	_ =	shalt  }
0x7e: {  	_ =	shalt  }
0x7f: {  	_ =	shalt  }
0x80: {  	_ =	shalt  }
0x81: {  	_ =	shalt  }
0x82: {  	_ =	shalt  }
0x83: {  	_ =	shalt  }
0x84: {  	_ =	shalt  }
0x85: {  	_ =	shalt  }
0x86: {  	_ =	shalt  }
0x87: {  	_ =	shalt  }
.Lfunc_end0:
.L_simem_size_0:
called_computation_lowered:
.L_overlay_start_0:
0x88: {  	s2 =	sld [smem:$0x3FD9]  }
0x89: {  	s3 =	sld [smem:$0x3FFE];
	_ =	sdelay $0x1  }
0x8a: {  	s1 =	srdreg.scid  }
0x8b: {  	s0 =	sand.u32 $0x1, s1  }
0x8c: {  	s16 =	sshll.u32 s0, $0xA;
	s2 =	sadd.s32 s3, s2  }
0x8d: {  	s2 =	sadd.s32 s2, s16  }
0x8e: {  	[smem:$0x3FC6] =	sst s2  }
0x8f: {  	_ = 	snop  }
0x90: {  	(tm) =	ssettm $0x1  }
0x91: {  	s17 =	sld [smem:$0x3FFB];
	_ =	sdelay $0x3  }
0x92: {  	_ =	strace s17  }
0x93: {  	s2 =	sld [smem:$0x3FFC];
	_ =	sdelay $0x3  }
0x94: {  	_ =	strace s2  }
0x95: {  	s2 =	sld [smem:$0x3FFD];
	_ =	sdelay $0x3  }
0x96: {  	_ =	strace s2  }
0x97: {  	_ =	strace $0x8FFFFFFF  }
0x98: {  	s18 =	sld [smem:$0x3FDB];
	_ =	sdelay $0x1  }
0x99: {  	s19 =	simm.s32 $_scs_section_size  }
0x9a: {  	s4 =	simm.s32 $_size__tile_overlayer_lowered;
	s5 =	simm.s32 $_tile_overlayer_lowered  }
0x9b: {  	s22 =	simm.s32 $0x1BFF;
	s21 =	sshll.u32 s5, $0x1;
	s2 =	sadd.s32 s19, s18  }
0x9c: {  	s6 =	simm.s32 $0x0;
	s20 =	sshll.u32 s4, $0x1;
	s4 =	sadd.s32 s21, s2  }
0x9d: {  	[timem:s6], [sflag:s22] =	dma.local [hbm:s4], s20  }
0x9e: {  	_ =	swait.ge [sflag:s22], s20  }
0x9f: {  	s3 =	ssub.s32 $0x0, s20;
	[sflag:s22] =	ssyncset.done $0x0  }
0xa0: {  	[sflag:s22] =	ssyncadd.s32 s3;
	_ =	sdelay $0x1  }
0xa1: {  	s23 =	simm.s32 $0x1B8B  }
0xa2: {  	_ =	swait.ge [sflag:s23], $0x1  }
0xa3: {  	[sflag:s23] =	ssyncset.done $0x0  }
0xa4: {  	s25 =	simm.s32 $0x1B8E;
	s24 =	sld [smem:$0x3FFE];
	[sflag:s23] =	ssyncadd.s32 $0xFFFFFFFF  }
0xa5: {  	s26 =	simm.s32 $execute0_lowered;
	[smem:$0x3FD2] =	sst s25  }
0xa6: {  	s4 =	sshll.u32 s26, $0x1;
	_ =	strace $0x80000046;
	[dreg:$0x1] =	wrdreg $0xFFFFFFFF  }
0xa7: {  	s28 =	simm.s32 $_size_execute0_lowered;
	s2 =	sadd.s32 s2, s4;
	[dreg:$0x0] =	wrdreg $0x0  }
0xa8: {  	s4 =	sshll.u32 s28, $0x1;
	[dreg:$0x2] =	wrdreg s2  }
0xa9: {  	[dreg:$0x3] =	wrdreg s4  }
0xaa: {  	[dreg:$0x4] =	wrdreg $0xC0  }
0xab: {  	_ =	task [dreg:s6], $0x5FFFF  }
0xac: {  	[dreg:$0x1] =	wrdreg $0xFFFFFFFF  }
0xad: {  	[dreg:$0x0] =	wrdreg $0x60  }
0xae: {  	[dreg:$0x2] =	wrdreg s24  }
0xaf: {  	[dreg:$0x3] =	wrdreg $0x9  }
0xb0: {  	_ =	task.clear_ibuf [dreg:s6], $0x4FFFF;
	_ =	strace $0x90000046  }
0xb1: {  	s29 =	simm.s32 $0x9;
	_ =	strace $0x80000048  }
0xb2: {  	_ =	swait.ge [sflag:s29], $0x1  }
0xb3: {  	[sflag:s29] =	ssyncadd.s32 $0xFFFFFFFF  }
0xb4: {  	_ =	strace $0x90000048  }
0xb5: {  	_ =	sfence  }
0xb6: {  	s30 =	sld [smem:$0x0];
	_ =	sdelay $0x2  }
0xb7: {  	s31 =	sshll.u32 s1, $0xD;
	s1 =	sshrl.u32 s1, $0x2  }
0xb8: {  	s3 =	sand.u32 $0x4000, s31;
	s1 =	sadd.s32 s1, s30  }
0xb9: {  	s0 =	sor.u32 s3, s0;
	s1 =	sshll.u32 s1, $0x11  }
0xba: {  	s0 =	sor.u32 s1, s0  }
0xbb: {  	s0 =	sadd.s32 $0x8F2B, s0  }
0xbc: {  	[sflag:s0] =	ssyncadd.remote.s32 $0x1  }
0xbd: {  	_ =	sfence.sel $0xFFFF  }
0xbe: {  	[dreg:$0x0] =	wrdreg $0xFFFFFFFF;
	(pc) =	sbr.abs _section_cstart, $3  }
0xbf: {  	[dreg:$0x1] =	wrdreg $0xFFFFFFFF  }
0xc0: {  	_ =	task.clear_ibuf [dreg:s6], $0x2FFFF;
	_ =	strace $0x9FFFFFFF  }
0xc1: {  	(tm) =	ssettm $0x7FFFFFFF  }
tec
execute0_lowered:
.L_overlay_start_1:
0x0: {  	(tag) =	ssettag $0x1  }
0x1: {  	s1 =	srdreg.scid;
	s0 =	stileid.u32  }
0x2: {  	s14 =	sand.u32 $0x1, s1;
	s29 =	sshll.u32 s0, $0x1  }
0x3: {  	s15 =	rddreg [dreg:$0x0];
	s16 =	sor.u32 s14, s29  }
0x4: {  	s2 =	simm.s32 $0x0;
	s1 =	rddreg [dreg:$0x1];
	s3 =	sshll.u32 s16, $0x6  }
0x5: {  	[smem:$0x7FF] =	sst s2;
	s3 =	sadd.s32 s3, s15  }
0x6: {  	_ =	strace $0x80000047;
	s4 =	sadd.s32 $0x30F400, s3;
	s3 =	simm.s32 $0x2  }
0x7: {  	[tilespmem:s2], [sflag:$0x2] =	stream.linear.gather [hbm4b:s4+s2], $0x200, $0x38;
	[tilespmem:$0x10200] =	vst v63  }
0x8: {  	_ =	swait.ge [sflag:s3], $0x200  }
0x9: {  	s6 =	simm.s32 $0x80;
	[sflag:s3] =	ssyncset.done $0x0  }
0xa: {  	s7 =	simm.s32 $0x200;
	s5 =	sadd.s32 $0x188C00, s15;
	[sflag:s3] =	ssyncadd.s32 $0xFFFFFE00  }
0xb: {  	[tilespmem:s7], [sflag:$0x1] =	stream.indirect.gather [hbm4b:s5+s6], $0x80, s2, s6, $0xb8;
	[tilespmem:$0x10200] =	vst v63  }
0xc: {  	s8 =	simm.s32 $0x4200  }
0xd: {  	[tilespmem:s8], [sflag:$0x1] =	stream.indirect.gather [hbm4b:s5+s6], $0x80, s6, s6, $0xb8;
	[tilespmem:$0x10200] =	vst v63  }
0xe: {  	s9 =	simm.s32 $0x100;
	s10 =	simm.s32 $0x8200  }
0xf: {  	[tilespmem:s10], [sflag:$0x1] =	stream.indirect.gather [hbm4b:s5+s6], $0x80, s9, s6, $0xb8;
	[tilespmem:$0x10200] =	vst v63  }
0x10: {  	s11 =	simm.s32 $0x180;
	s12 =	simm.s32 $0xC200;
	s13 =	simm.s32 $0x1  }
0x11: {  	[tilespmem:s12], [sflag:$0x1] =	stream.indirect.gather [hbm4b:s5+s6], $0x80, s11, s6, $0xb8;
	[tilespmem:$0x10200] =	vst v63  }
0x12: {  	_ =	swait.ge [sflag:s13], $0x4000  }
0x13: {  	[sflag:s13] =	ssyncset.done $0x0  }
0x14: {  	[sflag:s13] =	ssyncadd.s32 $0xFFFFC000  }
0x15: {  	_ =	swait.ge [sflag:s13], $0x4000  }
0x16: {  	[sflag:s13] =	ssyncset.done $0x0  }
0x17: {  	s14 =	ssub.s32 $0x2, s14;
	[sflag:s13] =	ssyncadd.s32 $0xFFFFC000  }
0x18: {  	s17 =	sshrl.u32 s14, $0x1;
	_ =	swait.ge [sflag:s13], $0x4000  }
0x19: {  	s30 =	ssub.s32 s14, s17;
	[sflag:s13] =	ssyncset.done $0x0  }
0x1a: {  	s31 =	smax.u32 s30, $0x1;
	[sflag:s13] =	ssyncadd.s32 $0xFFFFC000  }
0x1b: {  	s16 =	sshll.u32 s16, $0xD;
	p0 =	sne.s32 s31, $0x1;
	_ =	swait.ge [sflag:s13], $0x4000  }
.Ltmp0:
0x1c: {  	s15 =	sadd.s32 s16, s15;
	[sflag:s13] =	ssyncset.done $0x0;
	(pc) =	sbr.rel @!p0 .LBB2_2-.Ltmp0, $4  }
0x1d: {  	s14 =	sadd.s32 $0x30FC00, s15;
	[sflag:s13] =	ssyncadd.s32 $0xFFFFC000  }
0x1e: {  	[hbm4b:s14+s2] =	stream.linear.scatter [tilespmem:s7], [sflag:$0x2], $0x10000, $0x38;
	[tilespmem:$0x10200] =	vst v63  }
0x1f: {  	_ =	swait.ge [sflag:s3], $0x10000  }
0x20: {  	s15 =	sadd.s32 $0xFFFFFFFF, s31;
	[sflag:s3] =	ssyncset.done $0x0  }
.LBB2_1:
0x21: {  	p0 =	sne.s32 s15, $0x1;
	s15 =	sadd.s32 $0xFFFFFFFF, s15;
	[sflag:s3] =	ssyncadd.s32 $0xFFFF0000  }
0x22: {  	[tilespmem:s2], [sflag:$0x2] =	stream.linear.gather [hbm4b:s4+s2], $0x200, $0x38;
	[tilespmem:$0x10200] =	vst v63  }
0x23: {  	_ =	swait.ge [sflag:s3], $0x200  }
0x24: {  	[sflag:s3] =	ssyncset.done $0x0  }
0x25: {  	[sflag:s3] =	ssyncadd.s32 $0xFFFFFE00  }
0x26: {  	[tilespmem:s7], [sflag:$0x1] =	stream.indirect.gather [hbm4b:s5+s6], $0x80, s2, s6, $0xb8;
	[tilespmem:$0x10200] =	vst v63  }
0x27: {  	_ = 	snop  }
0x28: {  	[tilespmem:s8], [sflag:$0x1] =	stream.indirect.gather [hbm4b:s5+s6], $0x80, s6, s6, $0xb8;
	[tilespmem:$0x10200] =	vst v63  }
0x29: {  	_ = 	snop  }
0x2a: {  	[tilespmem:s10], [sflag:$0x1] =	stream.indirect.gather [hbm4b:s5+s6], $0x80, s9, s6, $0xb8;
	[tilespmem:$0x10200] =	vst v63  }
0x2b: {  	_ = 	snop  }
0x2c: {  	[tilespmem:s12], [sflag:$0x1] =	stream.indirect.gather [hbm4b:s5+s6], $0x80, s11, s6, $0xb8;
	[tilespmem:$0x10200] =	vst v63  }
0x2d: {  	_ =	swait.ge [sflag:s13], $0x4000  }
0x2e: {  	[sflag:s13] =	ssyncset.done $0x0  }
0x2f: {  	[sflag:s13] =	ssyncadd.s32 $0xFFFFC000  }
0x30: {  	_ =	swait.ge [sflag:s13], $0x4000  }
0x31: {  	[sflag:s13] =	ssyncset.done $0x0  }
0x32: {  	[sflag:s13] =	ssyncadd.s32 $0xFFFFC000  }
0x33: {  	_ =	swait.ge [sflag:s13], $0x4000  }
0x34: {  	[sflag:s13] =	ssyncset.done $0x0  }
0x35: {  	[sflag:s13] =	ssyncadd.s32 $0xFFFFC000  }
0x36: {  	_ =	swait.ge [sflag:s13], $0x4000  }
.Ltmp1:
0x37: {  	[sflag:s13] =	ssyncset.done $0x0;
	(pc) =	sbr.rel @p0 .LBB2_1-.Ltmp1, $4  }
0x38: {  	[sflag:s13] =	ssyncadd.s32 $0xFFFFC000  }
0x39: {  	[hbm4b:s14+s2] =	stream.linear.scatter [tilespmem:s7], [sflag:$0x2], $0x10000, $0x38;
	[tilespmem:$0x10200] =	vst v63  }
0x3a: {  	_ =	swait.ge [sflag:s3], $0x10000  }
0x3b: {  	[sflag:s3] =	ssyncset.done $0x0  }
.LBB2_2:
0x3c: {  	[sflag:s3] =	ssyncadd.s32 $0xFFFF0000  }
0x3d: {  	_ =	sfence.sel $0x180000  }
0x3e: {  	[bflag:$0x0] =	sbarrier.arrive $0xFFFF  }
0x3f: {  	p0 =	sne.s32 s0, $0x0;
	_ =	strace $0x90000047  }
0x40: {  	s0 =	sadd.s32 @!p0 $0x100000, s1;
	[bflag:$0x2] =	sbarrier.arrive $0xFFFF  }
0x41: {  	[sflag:s0] =	ssyncadd.tile.s32 @!p0 $0x1;
	_ =	shalt  }
.Lfunc_end2:
_tile_overlayer_lowered:
.L_overlay_start_2:
0x42: {  	(tag) =	ssettag $0x2  }
0x43: {  	s0 =	rddreg [dreg:$0x0];
	s2 =	stileid.u32  }
0x44: {  	s1 =	rddreg [dreg:$0x1];
	p0 =	sne.s32 s2, $0x0  }
0x45: {  	s3 =	rddreg [dreg:$0x2];
	[bflag:$0x3] =	sbarrier.arrive $0xFFFF;
	s2 =	simm.s32 @!p0 $0x1C02  }
0x46: {  	[timem:s3], [sflag:s2] =	dma.local @!p0 [hbm:s0], s1  }
0x47: {  	s0 =	simm.s32 @!p0 $0x2  }
0x48: {  	_ =	swait.ge @!p0 [sflag:s0], s1  }
0x49: {  	s1 =	ssub.s32 @!p0 $0x0, s1;
	[sflag:s0] =	ssyncset.done @!p0 $0x0  }
0x4a: {  	[sflag:s0] =	ssyncadd.s32 @!p0 s1  }
0x4b: {  	[bflag:$0x3] =	sbarrier.arrive $0xFFFF  }
0x4c: {  	_ =	shalt  }

</sc_bundles>
